<compile_context>
chip_gen: v7x
topology: tpu7x:2x2x1
jax: 0.10.2.dev20260603
libtpu: 0.0.44.dev20260713+nightly
codegen_flags: <defaults>
</compile_context>

<pallas_src>
import functools

import jax
import jax.numpy as jnp
from jax import lax
from jax.experimental import pallas as pl
from jax.experimental.pallas import tpu as pltpu
from jax.experimental.pallas import tpu_sc as plsc


def _ln(x, g, b):
    mu = jnp.mean(x, axis=-1, keepdims=True)
    var = jnp.mean((x - mu) ** 2, axis=-1, keepdims=True)
    return (x - mu) / jnp.sqrt(var + 1e-5) * g + b


def _mm(a, b):
    return jax.lax.dot_general(a, b, (((1,), (0,)), ((), ())),
                               preferred_element_type=jnp.float32)


def _top3(sxyz, xyzT):
    d = None
    for c in range(3):
        diff = sxyz[:, c:c + 1] - xyzT[c:c + 1, :]
        sq = diff * diff
        d = sq if d is None else d + sq
    m_count = float(xyzT.shape[1])
    iota = jax.lax.broadcasted_iota(jnp.int32, d.shape, 1).astype(jnp.float32)
    remaining = d
    idxs, ws = [], []
    wsum = None
    for r in range(3):
        mval = jnp.min(remaining, axis=1, keepdims=True)
        eq = remaining == mval
        idx = jnp.min(jnp.where(eq, iota, m_count), axis=1, keepdims=True)
        dist = jnp.sqrt(jnp.maximum(mval, 1e-10))
        w = 1.0 / (dist + 1e-8)
        wsum = w if r == 0 else wsum + w
        idxs.append(idx)
        ws.append(w)
        if r < 2:
            remaining = jnp.where(iota == idx, jnp.inf, remaining)
    return (jnp.concatenate(idxs, axis=1).astype(jnp.int32),
            jnp.concatenate([w / wsum for w in ws], axis=1))


def _knn_mix(sxyz, xyzT, f2):
    idx, w = _top3(sxyz, xyzT)
    m_count = xyzT.shape[1]
    iota = jax.lax.broadcasted_iota(jnp.int32, (sxyz.shape[0], m_count), 1)
    sel_w = jnp.zeros((sxyz.shape[0], m_count), jnp.float32)
    for r in range(3):
        sel_w = sel_w + jnp.where(iota == idx[:, r:r + 1], w[:, r:r + 1], 0.0)
    return _mm(sel_w, f2)


def _stages012_body(feats, xyz0T, sxyz0, sfeats0, xyz1T, sxyz1, sfeats1,
                    xyz2T, sxyz2, sfeats2,
                    u0g1, u0b1, u0w1, u0bb1, u0g2, u0b2, u0w2, u0bb2,
                    u1g1, u1b1, u1w1, u1bb1, u1g2, u1b2, u1w2, u1bb2,
                    u2g1, u2b1, u2w1, u2bb1, u2g2, u2b2, u2w2, u2bb2,
                    u3g2, u3b2, u3w2, u3bb2, f2_3_out):
    f = feats[...]
    params = (
        (xyz0T, sxyz0, sfeats0, u0g1, u0b1, u0w1, u0bb1, u0g2, u0b2, u0w2, u0bb2),
        (xyz1T, sxyz1, sfeats1, u1g1, u1b1, u1w1, u1bb1, u1g2, u1b2, u1w2, u1bb2),
        (xyz2T, sxyz2, sfeats2, u2g1, u2b1, u2w1, u2bb1, u2g2, u2b2, u2w2, u2bb2),
    )
    for (xyzT, sxyz, sfeats, sg1, sb1, sw1, sbb1, sg2, sb2, sw2, sbb2) in params:
        a = _mm(_ln(sfeats[...], sg1[...], sb1[...]), sw1[...]) + sbb1[...]
        f2 = _mm(_ln(f, sg2[...], sb2[...]), sw2[...]) + sbb2[...]
        f = a + _knn_mix(sxyz[...], xyzT[...], f2)
    f2_3_out[...] = _mm(_ln(f, u3g2[...], u3b2[...]), u3w2[...]) + u3bb2[...]


def _stage3_body(sxyz3, xyz3T, sfeats3, g1, b1, w1, bb1,
                 a_out, idx_out, w_out):
    a_out[...] = _mm(_ln(sfeats3[...], g1[...], b1[...]), w1[...]) + bb1[...]
    idx, w = _top3(sxyz3[...], xyz3T[...])
    idx_out[...] = idx
    w_out[...] = w


_P = 40
_NW = 32


def _sc_gather(idx_flat, f2):
    rows_total = idx_flat.shape[0]
    wr = rows_total // _NW
    sub = wr // (3 * _P)

    def body(idx_hbm, f2_hbm, out_hbm, idx_v, rows_v, gsem, ssem):
        wid = lax.axis_index("s") * 2 + lax.axis_index("c")
        base = wid * wr
        pltpu.sync_copy(idx_hbm.at[pl.ds(base, wr)], idx_v)
        gathers = []
        for s in range(sub):
            gathers.append(pltpu.async_copy(
                f2_hbm.at[idx_v.at[pl.ds(s * 3 * _P, 3 * _P)]],
                rows_v.at[pl.ds(s * 3 * _P, 3 * _P)], gsem))
        stores = []
        for s in range(sub):
            gathers[s].wait()
            stores.append(pltpu.async_copy(
                rows_v.at[pl.ds(s * 3 * _P, 3 * _P)],
                out_hbm.at[pl.ds(base + s * 3 * _P, 3 * _P)], ssem))
        for c in stores:
            c.wait()

    return functools.partial(
        pl.kernel,
        mesh=plsc.VectorSubcoreMesh(core_axis_name="c", subcore_axis_name="s"),
        out_type=jax.ShapeDtypeStruct((rows_total, 128), jnp.float32),
        scratch_types=[
            pltpu.VMEM((wr,), jnp.int32),
            pltpu.VMEM((wr, 128), jnp.float32),
            pltpu.SemaphoreType.DMA,
            pltpu.SemaphoreType.DMA,
        ],
    )(body)(idx_flat, f2)


def _head_body(a_ref, rows_ref, w_ref, cw1, cb1, bn_g, bn_b, w2T, b2,
               conf_out):
    rows = rows_ref[...]
    w = w_ref[...]
    g = (w[:, 0:1] * rows[:, 0:128]
         + w[:, 1:2] * rows[:, 128:256]
         + w[:, 2:3] * rows[:, 256:384])
    f = a_ref[...] + g
    h = _mm(f, cw1[...]) + cb1[...]
    mu = jnp.mean(h, axis=0, keepdims=True)
    var = jnp.mean((h - mu) ** 2, axis=0, keepdims=True)
    h = (h - mu) / jnp.sqrt(var + 1e-5) * bn_g[...] + bn_b[...]
    h = jnp.maximum(h, 0.0)
    conf_out[...] = jnp.sum(h * w2T[...], axis=1, keepdims=True) + b2[...]


_BN3 = 1000


def kernel(feats, xyz0, sxyz0, sfeats0, xyz1, sxyz1, sfeats1, xyz2, sxyz2, sfeats2, xyz3, sxyz3, sfeats3, u0_ln1_g, u0_ln1_b, u0_w1, u0_b1, u0_ln2_g, u0_ln2_b, u0_w2, u0_b2, u1_ln1_g, u1_ln1_b, u1_w1, u1_b1, u1_ln2_g, u1_ln2_b, u1_w2, u1_b2, u2_ln1_g, u2_ln1_b, u2_w1, u2_b1, u2_ln2_g, u2_ln2_b, u2_w2, u2_b2, u3_ln1_g, u3_ln1_b, u3_w1, u3_b1, u3_ln2_g, u3_ln2_b, u3_w2, u3_b2, conf_w1, conf_b1, conf_bn_g, conf_bn_b, conf_w2, conf_b2):
    r1 = lambda v: v.reshape(1, -1)
    n3 = sxyz3.shape[0]
    grid = (n3 // _BN3,)
    full = lambda s: pl.BlockSpec(s, lambda i: (0,) * len(s))
    blk = lambda s: pl.BlockSpec(s, lambda i: (i,) + (0,) * (len(s) - 1))

    f2_3 = pl.pallas_call(
        _stages012_body,
        out_shape=jax.ShapeDtypeStruct((2500, 128), jnp.float32),
    )(feats, xyz0.T, sxyz0, sfeats0, xyz1.T, sxyz1, sfeats1, xyz2.T, sxyz2,
      sfeats2,
      r1(u0_ln1_g), r1(u0_ln1_b), u0_w1, r1(u0_b1), r1(u0_ln2_g), r1(u0_ln2_b), u0_w2, r1(u0_b2),
      r1(u1_ln1_g), r1(u1_ln1_b), u1_w1, r1(u1_b1), r1(u1_ln2_g), r1(u1_ln2_b), u1_w2, r1(u1_b2),
      r1(u2_ln1_g), r1(u2_ln1_b), u2_w1, r1(u2_b1), r1(u2_ln2_g), r1(u2_ln2_b), u2_w2, r1(u2_b2),
      r1(u3_ln2_g), r1(u3_ln2_b), u3_w2, r1(u3_b2))

    a3, idx3, w3 = pl.pallas_call(
        _stage3_body,
        grid=grid,
        in_specs=[
            blk((_BN3, 3)),
            full((3, 2500)),
            blk((_BN3, 128)),
            full((1, 128)), full((1, 128)),
            full((128, 128)), full((1, 128)),
        ],
        out_specs=[blk((_BN3, 128)), blk((_BN3, 3)), blk((_BN3, 3))],
        out_shape=[jax.ShapeDtypeStruct((n3, 128), jnp.float32),
                   jax.ShapeDtypeStruct((n3, 3), jnp.int32),
                   jax.ShapeDtypeStruct((n3, 3), jnp.float32)],
    )(sxyz3, xyz3.T, sfeats3, r1(u3_ln1_g), r1(u3_ln1_b), u3_w1, r1(u3_b1))

    rows_pad = -(3 * n3) % (_NW * 3 * _P)
    npad = (3 * n3 + rows_pad) // 3
    idx_flat = jnp.pad(idx3.reshape(-1), (0, rows_pad))
    rows = _sc_gather(idx_flat, f2_3).reshape(npad, 384)

    conf = pl.pallas_call(
        _head_body,
        grid=(1,),
        in_specs=[
            blk((n3, 128)),
            blk((n3, 384)),
            blk((n3, 3)),
            full((128, 128)), full((1, 128)),
            full((1, 128)), full((1, 128)),
            full((1, 128)), full((1, 1)),
        ],
        out_specs=blk((n3, 1)),
        out_shape=jax.ShapeDtypeStruct((n3, 1), jnp.float32),
    )(a3, rows, w3, conf_w1, r1(conf_b1), r1(conf_bn_g), r1(conf_bn_b),
      conf_w2.T, r1(conf_b2))
    return conf

# --- scband reference (transcript-rebuilt; emitter-appended) ---
"""Pipeline reference for scband-strecognizer-27092653703204 (READ-ONLY COPY).

The authoritative reference and input builder live on the scoring server;
editing this copy changes nothing except your own understanding.
"""

import jax, jax.numpy as jnp
import numpy as np


def _layer_norm(x, g, b):
    mu = jnp.mean(x, axis=-1, keepdims=True)
    var = jnp.var(x, axis=-1, keepdims=True)
    return (x - mu) / jnp.sqrt(var + 1e-5) * g + b


def _knn_interpolate(xyz, support_xyz, feats, k=3):
    # xyz: [M,3] coarse points carrying feats [M,C]; support_xyz: [N,3] fine points
    d2 = jnp.sum((support_xyz[:, None, :] - xyz[None, :, :]) ** 2, axis=-1)  # [N,M]
    neg_vals, idx = jax.lax.top_k(-d2, k)  # k nearest
    dist = jnp.sqrt(jnp.maximum(-neg_vals, 1e-10))
    w = 1.0 / (dist + 1e-8)
    w = w / jnp.sum(w, axis=-1, keepdims=True)
    nb = jnp.take(feats, idx, axis=0)  # [N,k,C]
    return jnp.sum(nb * w[..., None], axis=1)


def setup_inputs(seed: int = 0):
    key = jax.random.key(seed)
    ks = iter(jax.random.split(key, 80))
    def n(shape, s=1.0):
        return jax.random.normal(next(ks), shape, dtype=jnp.float32) * s
    inp = {}
    inp['feats'] = n((39, 512))
    inp['xyz0'] = n((39, 3)); inp['sxyz0'] = n((156, 3)); inp['sfeats0'] = n((156, 512))
    inp['xyz1'] = n((156, 3)); inp['sxyz1'] = n((625, 3)); inp['sfeats1'] = n((625, 512))
    inp['xyz2'] = n((625, 3)); inp['sxyz2'] = n((2500, 3)); inp['sfeats2'] = n((2500, 256))
    inp['xyz3'] = n((2500, 3)); inp['sxyz3'] = n((10000, 3)); inp['sfeats3'] = n((10000, 128))
    # Upsample params: (in_channels, out_channels) per stage, coarse->fine
    dims = [(512, 512), (512, 512), (512, 256), (256, 128)]
    for i, (ci, co) in enumerate(dims):
        inp['u%d_ln1_g' % i] = jnp.ones((co,), jnp.float32)
        inp['u%d_ln1_b' % i] = jnp.zeros((co,), jnp.float32)
        inp['u%d_w1' % i] = n((co, co), 0.02)
        inp['u%d_b1' % i] = jnp.zeros((co,), jnp.float32)
        inp['u%d_ln2_g' % i] = jnp.ones((ci,), jnp.float32)
        inp['u%d_ln2_b' % i] = jnp.zeros((ci,), jnp.float32)
        inp['u%d_w2' % i] = n((ci, co), 0.02)
        inp['u%d_b2' % i] = jnp.zeros((co,), jnp.float32)
    inp['conf_w1'] = n((128, 128), 0.05)
    inp['conf_b1'] = jnp.zeros((128,), jnp.float32)
    inp['conf_bn_g'] = jnp.ones((128,), jnp.float32)
    inp['conf_bn_b'] = jnp.zeros((128,), jnp.float32)
    inp['conf_w2'] = n((128, 1), 0.05)
    inp['conf_b2'] = jnp.zeros((1,), jnp.float32)
    return inp


def reference(feats, xyz0, sxyz0, sfeats0, xyz1, sxyz1, sfeats1, xyz2, sxyz2, sfeats2, xyz3, sxyz3, sfeats3,
              u0_ln1_g, u0_ln1_b, u0_w1, u0_b1, u0_ln2_g, u0_ln2_b, u0_w2, u0_b2,
              u1_ln1_g, u1_ln1_b, u1_w1, u1_b1, u1_ln2_g, u1_ln2_b, u1_w2, u1_b2,
              u2_ln1_g, u2_ln1_b, u2_w1, u2_b1, u2_ln2_g, u2_ln2_b, u2_w2, u2_b2,
              u3_ln1_g, u3_ln1_b, u3_w1, u3_b1, u3_ln2_g, u3_ln2_b, u3_w2, u3_b2,
              conf_w1, conf_b1, conf_bn_g, conf_bn_b, conf_w2, conf_b2):
    stages = [
        (xyz0, sxyz0, sfeats0, u0_ln1_g, u0_ln1_b, u0_w1, u0_b1, u0_ln2_g, u0_ln2_b, u0_w2, u0_b2),
        (xyz1, sxyz1, sfeats1, u1_ln1_g, u1_ln1_b, u1_w1, u1_b1, u1_ln2_g, u1_ln2_b, u1_w2, u1_b2),
        (xyz2, sxyz2, sfeats2, u2_ln1_g, u2_ln1_b, u2_w1, u2_b1, u2_ln2_g, u2_ln2_b, u2_w2, u2_b2),
        (xyz3, sxyz3, sfeats3, u3_ln1_g, u3_ln1_b, u3_w1, u3_b1, u3_ln2_g, u3_ln2_b, u3_w2, u3_b2),
    ]
    f = feats
    for (xyz, sxyz, sfeats, g1, bt1, w1, bb1, g2, bt2, w2, bb2) in stages:
        a = _layer_norm(sfeats, g1, bt1) @ w1 + bb1
        f2 = _layer_norm(f, g2, bt2) @ w2 + bb2
        f = a + _knn_interpolate(xyz, sxyz, f2, k=3)
    h = f @ conf_w1 + conf_b1
    mu = jnp.mean(h, axis=0)
    var = jnp.var(h, axis=0)
    h = (h - mu) / jnp.sqrt(var + 1e-5) * conf_bn_g + conf_bn_b
    h = jnp.maximum(h, 0.0)
    conf = h @ conf_w2 + conf_b2
    return conf

if __name__ == "__main__":
    import jax
    _d = setup_inputs()
    print(jax.jit(kernel)(*tuple(_d.values())))

</pallas_src>

<mosaic_0001>
#map = affine_map<(d0, d1) -> (0)>
#map1 = affine_map<(d0, d1) -> (0, 0)>
module attributes {stable_mosaic.version = 14 : i64} {
  func.func @body(%arg0: i32, %arg1: i32, %arg2: memref<30720xi32, #tpu.memory_space<hbm>>, %arg3: memref<2500x128xf32, #tpu.memory_space<hbm>>, %arg4: memref<30720x128xf32, #tpu.memory_space<hbm>>, %arg5: memref<960xi32, #tpu.memory_space<vmem>>, %arg6: memref<960x128xf32, #tpu.memory_space<vmem>>, %arg7: memref<!tpu.dma_semaphore, #tpu.memory_space<semaphore_mem>>, %arg8: memref<!tpu.dma_semaphore, #tpu.memory_space<semaphore_mem>>) attributes {dimension_semantics = [#tpu.dimension_semantics<core_parallel>, #tpu.dimension_semantics<subcore_parallel>], iteration_bounds = array<i64: 2, 16>, scalar_prefetch = 0 : i64, scratch_operands = 4 : i64, tpu.core_type = #tpu.core_type<sc_vector_subcore>, window_params = [{transform_indices = #map}, {transform_indices = #map1}, {transform_indices = #map1}]} {
    %mul3A = arith.constant 2 : i32
    %mul3A_0 = arith.muli %arg1, %mul3A : i32
    %add3A = arith.addi %mul3A_0, %arg0 : i32
    %mul3A_1 = arith.constant 960 : i32
    %mul3A_2 = arith.muli %add3A, %mul3A_1 : i32
    "tpu.region"() ({
      %run_scoped3A = tpu.sem_alloc : memref<!tpu.dma_semaphore, #tpu.memory_space<semaphore_mem>>
      %dma_start3A_305 = tpu.memref_slice %arg2[%mul3A_2] : memref<30720xi32, #tpu.memory_space<hbm>> -> memref<960xi32, #tpu.memory_space<hbm>>
      %dma_start3A_306 = tpu.memref_slice %arg2[%mul3A_2] : memref<30720xi32, #tpu.memory_space<hbm>> -> memref<960xi32, #tpu.memory_space<hbm>>
      tpu.enqueue_dma source(%dma_start3A_306 : memref<960xi32, #tpu.memory_space<hbm>>) target(%arg5 : memref<960xi32, #tpu.memory_space<vmem>>) target_semaphore(%run_scoped3A : memref<!tpu.dma_semaphore, #tpu.memory_space<semaphore_mem>>)
      %dma_wait3A_307 = tpu.memref_slice %arg2[%mul3A_2] : memref<30720xi32, #tpu.memory_space<hbm>> -> memref<960xi32, #tpu.memory_space<hbm>>
      %dma_wait3A_308 = tpu.memref_slice %arg2[%mul3A_2] : memref<30720xi32, #tpu.memory_space<hbm>> -> memref<960xi32, #tpu.memory_space<hbm>>
      tpu.wait_dma2 semaphore(%run_scoped3A : memref<!tpu.dma_semaphore, #tpu.memory_space<semaphore_mem>>) src(%dma_wait3A_308 : memref<960xi32, #tpu.memory_space<hbm>>) dst(%arg5 : memref<960xi32, #tpu.memory_space<vmem>>)
      tpu.yield
    }) : () -> ()
    %dma_start3A = arith.constant 0 : i32
    %dma_start3A_3 = arith.constant 0 : i32
    %dma_start3A_4 = tpu.memref_slice %arg6[%dma_start3A, %dma_start3A_3] : memref<960x128xf32, #tpu.memory_space<vmem>> -> memref<120x128xf32, #tpu.memory_space<vmem>>
    %dma_start3A_5 = arith.constant 0 : i32
    %dma_start3A_6 = tpu.memref_slice %arg5[%dma_start3A_5] : memref<960xi32, #tpu.memory_space<vmem>> -> memref<120xi32, #tpu.memory_space<vmem>>
    %dma_start3A_7 = arith.constant 0 : i32
    %dma_start3A_8 = arith.constant 0 : i32
    %dma_start3A_9 = tpu.memref_slice %arg3[%dma_start3A_7, %dma_start3A_8] : memref<2500x128xf32, #tpu.memory_space<hbm>> -> memref<2500x128xf32, #tpu.memory_space<hbm>>
    tpu.enqueue_indirect_dma source(%dma_start3A_9 : memref<2500x128xf32, #tpu.memory_space<hbm>>) target(%dma_start3A_4 : memref<120x128xf32, #tpu.memory_space<vmem>>) offsets(%dma_start3A_6 : memref<120xi32, #tpu.memory_space<vmem>>) semaphore(%arg7 : memref<!tpu.dma_semaphore, #tpu.memory_space<semaphore_mem>>)
    %dma_start3A_10 = arith.constant 120 : i32
    %dma_start3A_11 = arith.constant 0 : i32
    %dma_start3A_12 = tpu.memref_slice %arg6[%dma_start3A_10, %dma_start3A_11] : memref<960x128xf32, #tpu.memory_space<vmem>> -> memref<120x128xf32, #tpu.memory_space<vmem>>
    %dma_start3A_13 = arith.constant 120 : i32
    %dma_start3A_14 = tpu.memref_slice %arg5[%dma_start3A_13] : memref<960xi32, #tpu.memory_space<vmem>> -> memref<120xi32, #tpu.memory_space<vmem>>
    %dma_start3A_15 = arith.constant 0 : i32
    %dma_start3A_16 = arith.constant 0 : i32
    %dma_start3A_17 = tpu.memref_slice %arg3[%dma_start3A_15, %dma_start3A_16] : memref<2500x128xf32, #tpu.memory_space<hbm>> -> memref<2500x128xf32, #tpu.memory_space<hbm>>
    tpu.enqueue_indirect_dma source(%dma_start3A_17 : memref<2500x128xf32, #tpu.memory_space<hbm>>) target(%dma_start3A_12 : memref<120x128xf32, #tpu.memory_space<vmem>>) offsets(%dma_start3A_14 : memref<120xi32, #tpu.memory_space<vmem>>) semaphore(%arg7 : memref<!tpu.dma_semaphore, #tpu.memory_space<semaphore_mem>>)
    %dma_start3A_18 = arith.constant 240 : i32
    %dma_start3A_19 = arith.constant 0 : i32
    %dma_start3A_20 = tpu.memref_slice %arg6[%dma_start3A_18, %dma_start3A_19] : memref<960x128xf32, #tpu.memory_space<vmem>> -> memref<120x128xf32, #tpu.memory_space<vmem>>
    %dma_start3A_21 = arith.constant 240 : i32
    %dma_start3A_22 = tpu.memref_slice %arg5[%dma_start3A_21] : memref<960xi32, #tpu.memory_space<vmem>> -> memref<120xi32, #tpu.memory_space<vmem>>
    %dma_start3A_23 = arith.constant 0 : i32
    %dma_start3A_24 = arith.constant 0 : i32
    %dma_start3A_25 = tpu.memref_slice %arg3[%dma_start3A_23, %dma_start3A_24] : memref<2500x128xf32, #tpu.memory_space<hbm>> -> memref<2500x128xf32, #tpu.memory_space<hbm>>
    tpu.enqueue_indirect_dma source(%dma_start3A_25 : memref<2500x128xf32, #tpu.memory_space<hbm>>) target(%dma_start3A_20 : memref<120x128xf32, #tpu.memory_space<vmem>>) offsets(%dma_start3A_22 : memref<120xi32, #tpu.memory_space<vmem>>) semaphore(%arg7 : memref<!tpu.dma_semaphore, #tpu.memory_space<semaphore_mem>>)
    %dma_start3A_26 = arith.constant 360 : i32
    %dma_start3A_27 = arith.constant 0 : i32
    %dma_start3A_28 = tpu.memref_slice %arg6[%dma_start3A_26, %dma_start3A_27] : memref<960x128xf32, #tpu.memory_space<vmem>> -> memref<120x128xf32, #tpu.memory_space<vmem>>
    %dma_start3A_29 = arith.constant 360 : i32
    %dma_start3A_30 = tpu.memref_slice %arg5[%dma_start3A_29] : memref<960xi32, #tpu.memory_space<vmem>> -> memref<120xi32, #tpu.memory_space<vmem>>
    %dma_start3A_31 = arith.constant 0 : i32
    %dma_start3A_32 = arith.constant 0 : i32
    %dma_start3A_33 = tpu.memref_slice %arg3[%dma_start3A_31, %dma_start3A_32] : memref<2500x128xf32, #tpu.memory_space<hbm>> -> memref<2500x128xf32, #tpu.memory_space<hbm>>
    tpu.enqueue_indirect_dma source(%dma_start3A_33 : memref<2500x128xf32, #tpu.memory_space<hbm>>) target(%dma_start3A_28 : memref<120x128xf32, #tpu.memory_space<vmem>>) offsets(%dma_start3A_30 : memref<120xi32, #tpu.memory_space<vmem>>) semaphore(%arg7 : memref<!tpu.dma_semaphore, #tpu.memory_space<semaphore_mem>>)
    %dma_start3A_34 = arith.constant 480 : i32
    %dma_start3A_35 = arith.constant 0 : i32
    %dma_start3A_36 = tpu.memref_slice %arg6[%dma_start3A_34, %dma_start3A_35] : memref<960x128xf32, #tpu.memory_space<vmem>> -> memref<120x128xf32, #tpu.memory_space<vmem>>
    %dma_start3A_37 = arith.constant 480 : i32
    %dma_start3A_38 = tpu.memref_slice %arg5[%dma_start3A_37] : memref<960xi32, #tpu.memory_space<vmem>> -> memref<120xi32, #tpu.memory_space<vmem>>
    %dma_start3A_39 = arith.constant 0 : i32
    %dma_start3A_40 = arith.constant 0 : i32
    %dma_start3A_41 = tpu.memref_slice %arg3[%dma_start3A_39, %dma_start3A_40] : memref<2500x128xf32, #tpu.memory_space<hbm>> -> memref<2500x128xf32, #tpu.memory_space<hbm>>
    tpu.enqueue_indirect_dma source(%dma_start3A_41 : memref<2500x128xf32, #tpu.memory_space<hbm>>) target(%dma_start3A_36 : memref<120x128xf32, #tpu.memory_space<vmem>>) offsets(%dma_start3A_38 : memref<120xi32, #tpu.memory_space<vmem>>) semaphore(%arg7 : memref<!tpu.dma_semaphore, #tpu.memory_space<semaphore_mem>>)
    %dma_start3A_42 = arith.constant 600 : i32
    %dma_start3A_43 = arith.constant 0 : i32
    %dma_start3A_44 = tpu.memref_slice %arg6[%dma_start3A_42, %dma_start3A_43] : memref<960x128xf32, #tpu.memory_space<vmem>> -> memref<120x128xf32, #tpu.memory_space<vmem>>
    %dma_start3A_45 = arith.constant 600 : i32
    %dma_start3A_46 = tpu.memref_slice %arg5[%dma_start3A_45] : memref<960xi32, #tpu.memory_space<vmem>> -> memref<120xi32, #tpu.memory_space<vmem>>
    %dma_start3A_47 = arith.constant 0 : i32
    %dma_start3A_48 = arith.constant 0 : i32
    %dma_start3A_49 = tpu.memref_slice %arg3[%dma_start3A_47, %dma_start3A_48] : memref<2500x128xf32, #tpu.memory_space<hbm>> -> memref<2500x128xf32, #tpu.memory_space<hbm>>
    tpu.enqueue_indirect_dma source(%dma_start3A_49 : memref<2500x128xf32, #tpu.memory_space<hbm>>) target(%dma_start3A_44 : memref<120x128xf32, #tpu.memory_space<vmem>>) offsets(%dma_start3A_46 : memref<120xi32, #tpu.memory_space<vmem>>) semaphore(%arg7 : memref<!tpu.dma_semaphore, #tpu.memory_space<semaphore_mem>>)
    %dma_start3A_50 = arith.constant 720 : i32
    %dma_start3A_51 = arith.constant 0 : i32
    %dma_start3A_52 = tpu.memref_slice %arg6[%dma_start3A_50, %dma_start3A_51] : memref<960x128xf32, #tpu.memory_space<vmem>> -> memref<120x128xf32, #tpu.memory_space<vmem>>
    %dma_start3A_53 = arith.constant 720 : i32
    %dma_start3A_54 = tpu.memref_slice %arg5[%dma_start3A_53] : memref<960xi32, #tpu.memory_space<vmem>> -> memref<120xi32, #tpu.memory_space<vmem>>
    %dma_start3A_55 = arith.constant 0 : i32
    %dma_start3A_56 = arith.constant 0 : i32
    %dma_start3A_57 = tpu.memref_slice %arg3[%dma_start3A_55, %dma_start3A_56] : memref<2500x128xf32, #tpu.memory_space<hbm>> -> memref<2500x128xf32, #tpu.memory_space<hbm>>
    tpu.enqueue_indirect_dma source(%dma_start3A_57 : memref<2500x128xf32, #tpu.memory_space<hbm>>) target(%dma_start3A_52 : memref<120x128xf32, #tpu.memory_space<vmem>>) offsets(%dma_start3A_54 : memref<120xi32, #tpu.memory_space<vmem>>) semaphore(%arg7 : memref<!tpu.dma_semaphore, #tpu.memory_space<semaphore_mem>>)
    %dma_start3A_58 = arith.constant 840 : i32
    %dma_start3A_59 = arith.constant 0 : i32
    %dma_start3A_60 = tpu.memref_slice %arg6[%dma_start3A_58, %dma_start3A_59] : memref<960x128xf32, #tpu.memory_space<vmem>> -> memref<120x128xf32, #tpu.memory_space<vmem>>
    %dma_start3A_61 = arith.constant 840 : i32
    %dma_start3A_62 = tpu.memref_slice %arg5[%dma_start3A_61] : memref<960xi32, #tpu.memory_space<vmem>> -> memref<120xi32, #tpu.memory_space<vmem>>
    %dma_start3A_63 = arith.constant 0 : i32
    %dma_start3A_64 = arith.constant 0 : i32
    %dma_start3A_65 = tpu.memref_slice %arg3[%dma_start3A_63, %dma_start3A_64] : memref<2500x128xf32, #tpu.memory_space<hbm>> -> memref<2500x128xf32, #tpu.memory_space<hbm>>
    tpu.enqueue_indirect_dma source(%dma_start3A_65 : memref<2500x128xf32, #tpu.memory_space<hbm>>) target(%dma_start3A_60 : memref<120x128xf32, #tpu.memory_space<vmem>>) offsets(%dma_start3A_62 : memref<120xi32, #tpu.memory_space<vmem>>) semaphore(%arg7 : memref<!tpu.dma_semaphore, #tpu.memory_space<semaphore_mem>>)
    %dma_wait3A = arith.constant 0 : i32
    %dma_wait3A_66 = arith.constant 0 : i32
    %dma_wait3A_67 = tpu.memref_slice %arg6[%dma_wait3A, %dma_wait3A_66] : memref<960x128xf32, #tpu.memory_space<vmem>> -> memref<120x128xf32, #tpu.memory_space<vmem>>
    %dma_wait3A_68 = arith.constant 0 : i32
    %dma_wait3A_69 = tpu.memref_slice %arg5[%dma_wait3A_68] : memref<960xi32, #tpu.memory_space<vmem>> -> memref<120xi32, #tpu.memory_space<vmem>>
    %dma_wait3A_70 = arith.constant 0 : i32
    %dma_wait3A_71 = arith.constant 0 : i32
    %dma_wait3A_72 = tpu.memref_slice %arg3[%dma_wait3A_70, %dma_wait3A_71] : memref<2500x128xf32, #tpu.memory_space<hbm>> -> memref<2500x128xf32, #tpu.memory_space<hbm>>
    tpu.wait_indirect_dma semaphore(%arg7 : memref<!tpu.dma_semaphore, #tpu.memory_space<semaphore_mem>>) src(%dma_wait3A_72 : memref<2500x128xf32, #tpu.memory_space<hbm>>) dst(%dma_wait3A_67 : memref<120x128xf32, #tpu.memory_space<vmem>>)
    %add3A_73 = arith.constant 0 : i32
    %add3A_74 = arith.addi %mul3A_2, %add3A_73 : i32
    %dma_start3A_75 = arith.constant 0 : i32
    %dma_start3A_76 = arith.constant 0 : i32
    %dma_start3A_77 = tpu.memref_slice %arg6[%dma_start3A_75, %dma_start3A_76] : memref<960x128xf32, #tpu.memory_space<vmem>> -> memref<120x128xf32, #tpu.memory_space<vmem>>
    %dma_start3A_78 = arith.constant 0 : i32
    %dma_start3A_79 = tpu.memref_slice %arg4[%add3A_74, %dma_start3A_78] : memref<30720x128xf32, #tpu.memory_space<hbm>> -> memref<120x128xf32, #tpu.memory_space<hbm>>
    %dma_start3A_80 = arith.constant 0 : i32
    %dma_start3A_81 = tpu.memref_slice %arg4[%add3A_74, %dma_start3A_80] : memref<30720x128xf32, #tpu.memory_space<hbm>> -> memref<120x128xf32, #tpu.memory_space<hbm>>
    %dma_start3A_82 = arith.constant 0 : i32
    %dma_start3A_83 = arith.constant 0 : i32
    %dma_start3A_84 = tpu.memref_slice %arg6[%dma_start3A_82, %dma_start3A_83] : memref<960x128xf32, #tpu.memory_space<vmem>> -> memref<120x128xf32, #tpu.memory_space<vmem>>
    tpu.enqueue_dma source(%dma_start3A_84 : memref<120x128xf32, #tpu.memory_space<vmem>>) target(%dma_start3A_81 : memref<120x128xf32, #tpu.memory_space<hbm>>) target_semaphore(%arg8 : memref<!tpu.dma_semaphore, #tpu.memory_space<semaphore_mem>>)
    %dma_wait3A_85 = arith.constant 120 : i32
    %dma_wait3A_86 = arith.constant 0 : i32
    %dma_wait3A_87 = tpu.memref_slice %arg6[%dma_wait3A_85, %dma_wait3A_86] : memref<960x128xf32, #tpu.memory_space<vmem>> -> memref<120x128xf32, #tpu.memory_space<vmem>>
    %dma_wait3A_88 = arith.constant 120 : i32
    %dma_wait3A_89 = tpu.memref_slice %arg5[%dma_wait3A_88] : memref<960xi32, #tpu.memory_space<vmem>> -> memref<120xi32, #tpu.memory_space<vmem>>
    %dma_wait3A_90 = arith.constant 0 : i32
    %dma_wait3A_91 = arith.constant 0 : i32
    %dma_wait3A_92 = tpu.memref_slice %arg3[%dma_wait3A_90, %dma_wait3A_91] : memref<2500x128xf32, #tpu.memory_space<hbm>> -> memref<2500x128xf32, #tpu.memory_space<hbm>>
    tpu.wait_indirect_dma semaphore(%arg7 : memref<!tpu.dma_semaphore, #tpu.memory_space<semaphore_mem>>) src(%dma_wait3A_92 : memref<2500x128xf32, #tpu.memory_space<hbm>>) dst(%dma_wait3A_87 : memref<120x128xf32, #tpu.memory_space<vmem>>)
    %add3A_93 = arith.constant 120 : i32
    %add3A_94 = arith.addi %mul3A_2, %add3A_93 : i32
    %dma_start3A_95 = arith.constant 120 : i32
    %dma_start3A_96 = arith.constant 0 : i32
    %dma_start3A_97 = tpu.memref_slice %arg6[%dma_start3A_95, %dma_start3A_96] : memref<960x128xf32, #tpu.memory_space<vmem>> -> memref<120x128xf32, #tpu.memory_space<vmem>>
    %dma_start3A_98 = arith.constant 0 : i32
    %dma_start3A_99 = tpu.memref_slice %arg4[%add3A_94, %dma_start3A_98] : memref<30720x128xf32, #tpu.memory_space<hbm>> -> memref<120x128xf32, #tpu.memory_space<hbm>>
    %dma_start3A_100 = arith.constant 0 : i32
    %dma_start3A_101 = tpu.memref_slice %arg4[%add3A_94, %dma_start3A_100] : memref<30720x128xf32, #tpu.memory_space<hbm>> -> memref<120x128xf32, #tpu.memory_space<hbm>>
    %dma_start3A_102 = arith.constant 120 : i32
    %dma_start3A_103 = arith.constant 0 : i32
    %dma_start3A_104 = tpu.memref_slice %arg6[%dma_start3A_102, %dma_start3A_103] : memref<960x128xf32, #tpu.memory_space<vmem>> -> memref<120x128xf32, #tpu.memory_space<vmem>>
    tpu.enqueue_dma source(%dma_start3A_104 : memref<120x128xf32, #tpu.memory_space<vmem>>) target(%dma_start3A_101 : memref<120x128xf32, #tpu.memory_space<hbm>>) target_semaphore(%arg8 : memref<!tpu.dma_semaphore, #tpu.memory_space<semaphore_mem>>)
    %dma_wait3A_105 = arith.constant 240 : i32
    %dma_wait3A_106 = arith.constant 0 : i32
    %dma_wait3A_107 = tpu.memref_slice %arg6[%dma_wait3A_105, %dma_wait3A_106] : memref<960x128xf32, #tpu.memory_space<vmem>> -> memref<120x128xf32, #tpu.memory_space<vmem>>
    %dma_wait3A_108 = arith.constant 240 : i32
    %dma_wait3A_109 = tpu.memref_slice %arg5[%dma_wait3A_108] : memref<960xi32, #tpu.memory_space<vmem>> -> memref<120xi32, #tpu.memory_space<vmem>>
    %dma_wait3A_110 = arith.constant 0 : i32
    %dma_wait3A_111 = arith.constant 0 : i32
    %dma_wait3A_112 = tpu.memref_slice %arg3[%dma_wait3A_110, %dma_wait3A_111] : memref<2500x128xf32, #tpu.memory_space<hbm>> -> memref<2500x128xf32, #tpu.memory_space<hbm>>
    tpu.wait_indirect_dma semaphore(%arg7 : memref<!tpu.dma_semaphore, #tpu.memory_space<semaphore_mem>>) src(%dma_wait3A_112 : memref<2500x128xf32, #tpu.memory_space<hbm>>) dst(%dma_wait3A_107 : memref<120x128xf32, #tpu.memory_space<vmem>>)
    %add3A_113 = arith.constant 240 : i32
    %add3A_114 = arith.addi %mul3A_2, %add3A_113 : i32
    %dma_start3A_115 = arith.constant 240 : i32
    %dma_start3A_116 = arith.constant 0 : i32
    %dma_start3A_117 = tpu.memref_slice %arg6[%dma_start3A_115, %dma_start3A_116] : memref<960x128xf32, #tpu.memory_space<vmem>> -> memref<120x128xf32, #tpu.memory_space<vmem>>
    %dma_start3A_118 = arith.constant 0 : i32
    %dma_start3A_119 = tpu.memref_slice %arg4[%add3A_114, %dma_start3A_118] : memref<30720x128xf32, #tpu.memory_space<hbm>> -> memref<120x128xf32, #tpu.memory_space<hbm>>
    %dma_start3A_120 = arith.constant 0 : i32
    %dma_start3A_121 = tpu.memref_slice %arg4[%add3A_114, %dma_start3A_120] : memref<30720x128xf32, #tpu.memory_space<hbm>> -> memref<120x128xf32, #tpu.memory_space<hbm>>
    %dma_start3A_122 = arith.constant 240 : i32
    %dma_start3A_123 = arith.constant 0 : i32
    %dma_start3A_124 = tpu.memref_slice %arg6[%dma_start3A_122, %dma_start3A_123] : memref<960x128xf32, #tpu.memory_space<vmem>> -> memref<120x128xf32, #tpu.memory_space<vmem>>
    tpu.enqueue_dma source(%dma_start3A_124 : memref<120x128xf32, #tpu.memory_space<vmem>>) target(%dma_start3A_121 : memref<120x128xf32, #tpu.memory_space<hbm>>) target_semaphore(%arg8 : memref<!tpu.dma_semaphore, #tpu.memory_space<semaphore_mem>>)
    %dma_wait3A_125 = arith.constant 360 : i32
    %dma_wait3A_126 = arith.constant 0 : i32
    %dma_wait3A_127 = tpu.memref_slice %arg6[%dma_wait3A_125, %dma_wait3A_126] : memref<960x128xf32, #tpu.memory_space<vmem>> -> memref<120x128xf32, #tpu.memory_space<vmem>>
    %dma_wait3A_128 = arith.constant 360 : i32
    %dma_wait3A_129 = tpu.memref_slice %arg5[%dma_wait3A_128] : memref<960xi32, #tpu.memory_space<vmem>> -> memref<120xi32, #tpu.memory_space<vmem>>
    %dma_wait3A_130 = arith.constant 0 : i32
    %dma_wait3A_131 = arith.constant 0 : i32
    %dma_wait3A_132 = tpu.memref_slice %arg3[%dma_wait3A_130, %dma_wait3A_131] : memref<2500x128xf32, #tpu.memory_space<hbm>> -> memref<2500x128xf32, #tpu.memory_space<hbm>>
    tpu.wait_indirect_dma semaphore(%arg7 : memref<!tpu.dma_semaphore, #tpu.memory_space<semaphore_mem>>) src(%dma_wait3A_132 : memref<2500x128xf32, #tpu.memory_space<hbm>>) dst(%dma_wait3A_127 : memref<120x128xf32, #tpu.memory_space<vmem>>)
    %add3A_133 = arith.constant 360 : i32
    %add3A_134 = arith.addi %mul3A_2, %add3A_133 : i32
    %dma_start3A_135 = arith.constant 360 : i32
    %dma_start3A_136 = arith.constant 0 : i32
    %dma_start3A_137 = tpu.memref_slice %arg6[%dma_start3A_135, %dma_start3A_136] : memref<960x128xf32, #tpu.memory_space<vmem>> -> memref<120x128xf32, #tpu.memory_space<vmem>>
    %dma_start3A_138 = arith.constant 0 : i32
    %dma_start3A_139 = tpu.memref_slice %arg4[%add3A_134, %dma_start3A_138] : memref<30720x128xf32, #tpu.memory_space<hbm>> -> memref<120x128xf32, #tpu.memory_space<hbm>>
    %dma_start3A_140 = arith.constant 0 : i32
    %dma_start3A_141 = tpu.memref_slice %arg4[%add3A_134, %dma_start3A_140] : memref<30720x128xf32, #tpu.memory_space<hbm>> -> memref<120x128xf32, #tpu.memory_space<hbm>>
    %dma_start3A_142 = arith.constant 360 : i32
    %dma_start3A_143 = arith.constant 0 : i32
    %dma_start3A_144 = tpu.memref_slice %arg6[%dma_start3A_142, %dma_start3A_143] : memref<960x128xf32, #tpu.memory_space<vmem>> -> memref<120x128xf32, #tpu.memory_space<vmem>>
    tpu.enqueue_dma source(%dma_start3A_144 : memref<120x128xf32, #tpu.memory_space<vmem>>) target(%dma_start3A_141 : memref<120x128xf32, #tpu.memory_space<hbm>>) target_semaphore(%arg8 : memref<!tpu.dma_semaphore, #tpu.memory_space<semaphore_mem>>)
    %dma_wait3A_145 = arith.constant 480 : i32
    %dma_wait3A_146 = arith.constant 0 : i32
    %dma_wait3A_147 = tpu.memref_slice %arg6[%dma_wait3A_145, %dma_wait3A_146] : memref<960x128xf32, #tpu.memory_space<vmem>> -> memref<120x128xf32, #tpu.memory_space<vmem>>
    %dma_wait3A_148 = arith.constant 480 : i32
    %dma_wait3A_149 = tpu.memref_slice %arg5[%dma_wait3A_148] : memref<960xi32, #tpu.memory_space<vmem>> -> memref<120xi32, #tpu.memory_space<vmem>>
    %dma_wait3A_150 = arith.constant 0 : i32
    %dma_wait3A_151 = arith.constant 0 : i32
    %dma_wait3A_152 = tpu.memref_slice %arg3[%dma_wait3A_150, %dma_wait3A_151] : memref<2500x128xf32, #tpu.memory_space<hbm>> -> memref<2500x128xf32, #tpu.memory_space<hbm>>
    tpu.wait_indirect_dma semaphore(%arg7 : memref<!tpu.dma_semaphore, #tpu.memory_space<semaphore_mem>>) src(%dma_wait3A_152 : memref<2500x128xf32, #tpu.memory_space<hbm>>) dst(%dma_wait3A_147 : memref<120x128xf32, #tpu.memory_space<vmem>>)
    %add3A_153 = arith.constant 480 : i32
    %add3A_154 = arith.addi %mul3A_2, %add3A_153 : i32
    %dma_start3A_155 = arith.constant 480 : i32
    %dma_start3A_156 = arith.constant 0 : i32
    %dma_start3A_157 = tpu.memref_slice %arg6[%dma_start3A_155, %dma_start3A_156] : memref<960x128xf32, #tpu.memory_space<vmem>> -> memref<120x128xf32, #tpu.memory_space<vmem>>
    %dma_start3A_158 = arith.constant 0 : i32
    %dma_start3A_159 = tpu.memref_slice %arg4[%add3A_154, %dma_start3A_158] : memref<30720x128xf32, #tpu.memory_space<hbm>> -> memref<120x128xf32, #tpu.memory_space<hbm>>
    %dma_start3A_160 = arith.constant 0 : i32
    %dma_start3A_161 = tpu.memref_slice %arg4[%add3A_154, %dma_start3A_160] : memref<30720x128xf32, #tpu.memory_space<hbm>> -> memref<120x128xf32, #tpu.memory_space<hbm>>
    %dma_start3A_162 = arith.constant 480 : i32
    %dma_start3A_163 = arith.constant 0 : i32
    %dma_start3A_164 = tpu.memref_slice %arg6[%dma_start3A_162, %dma_start3A_163] : memref<960x128xf32, #tpu.memory_space<vmem>> -> memref<120x128xf32, #tpu.memory_space<vmem>>
    tpu.enqueue_dma source(%dma_start3A_164 : memref<120x128xf32, #tpu.memory_space<vmem>>) target(%dma_start3A_161 : memref<120x128xf32, #tpu.memory_space<hbm>>) target_semaphore(%arg8 : memref<!tpu.dma_semaphore, #tpu.memory_space<semaphore_mem>>)
    %dma_wait3A_165 = arith.constant 600 : i32
    %dma_wait3A_166 = arith.constant 0 : i32
    %dma_wait3A_167 = tpu.memref_slice %arg6[%dma_wait3A_165, %dma_wait3A_166] : memref<960x128xf32, #tpu.memory_space<vmem>> -> memref<120x128xf32, #tpu.memory_space<vmem>>
    %dma_wait3A_168 = arith.constant 600 : i32
    %dma_wait3A_169 = tpu.memref_slice %arg5[%dma_wait3A_168] : memref<960xi32, #tpu.memory_space<vmem>> -> memref<120xi32, #tpu.memory_space<vmem>>
    %dma_wait3A_170 = arith.constant 0 : i32
    %dma_wait3A_171 = arith.constant 0 : i32
    %dma_wait3A_172 = tpu.memref_slice %arg3[%dma_wait3A_170, %dma_wait3A_171] : memref<2500x128xf32, #tpu.memory_space<hbm>> -> memref<2500x128xf32, #tpu.memory_space<hbm>>
    tpu.wait_indirect_dma semaphore(%arg7 : memref<!tpu.dma_semaphore, #tpu.memory_space<semaphore_mem>>) src(%dma_wait3A_172 : memref<2500x128xf32, #tpu.memory_space<hbm>>) dst(%dma_wait3A_167 : memref<120x128xf32, #tpu.memory_space<vmem>>)
    %add3A_173 = arith.constant 600 : i32
    %add3A_174 = arith.addi %mul3A_2, %add3A_173 : i32
    %dma_start3A_175 = arith.constant 600 : i32
    %dma_start3A_176 = arith.constant 0 : i32
    %dma_start3A_177 = tpu.memref_slice %arg6[%dma_start3A_175, %dma_start3A_176] : memref<960x128xf32, #tpu.memory_space<vmem>> -> memref<120x128xf32, #tpu.memory_space<vmem>>
    %dma_start3A_178 = arith.constant 0 : i32
    %dma_start3A_179 = tpu.memref_slice %arg4[%add3A_174, %dma_start3A_178] : memref<30720x128xf32, #tpu.memory_space<hbm>> -> memref<120x128xf32, #tpu.memory_space<hbm>>
    %dma_start3A_180 = arith.constant 0 : i32
    %dma_start3A_181 = tpu.memref_slice %arg4[%add3A_174, %dma_start3A_180] : memref<30720x128xf32, #tpu.memory_space<hbm>> -> memref<120x128xf32, #tpu.memory_space<hbm>>
    %dma_start3A_182 = arith.constant 600 : i32
    %dma_start3A_183 = arith.constant 0 : i32
    %dma_start3A_184 = tpu.memref_slice %arg6[%dma_start3A_182, %dma_start3A_183] : memref<960x128xf32, #tpu.memory_space<vmem>> -> memref<120x128xf32, #tpu.memory_space<vmem>>
    tpu.enqueue_dma source(%dma_start3A_184 : memref<120x128xf32, #tpu.memory_space<vmem>>) target(%dma_start3A_181 : memref<120x128xf32, #tpu.memory_space<hbm>>) target_semaphore(%arg8 : memref<!tpu.dma_semaphore, #tpu.memory_space<semaphore_mem>>)
    %dma_wait3A_185 = arith.constant 720 : i32
    %dma_wait3A_186 = arith.constant 0 : i32
    %dma_wait3A_187 = tpu.memref_slice %arg6[%dma_wait3A_185, %dma_wait3A_186] : memref<960x128xf32, #tpu.memory_space<vmem>> -> memref<120x128xf32, #tpu.memory_space<vmem>>
    %dma_wait3A_188 = arith.constant 720 : i32
    %dma_wait3A_189 = tpu.memref_slice %arg5[%dma_wait3A_188] : memref<960xi32, #tpu.memory_space<vmem>> -> memref<120xi32, #tpu.memory_space<vmem>>
    %dma_wait3A_190 = arith.constant 0 : i32
    %dma_wait3A_191 = arith.constant 0 : i32
    %dma_wait3A_192 = tpu.memref_slice %arg3[%dma_wait3A_190, %dma_wait3A_191] : memref<2500x128xf32, #tpu.memory_space<hbm>> -> memref<2500x128xf32, #tpu.memory_space<hbm>>
    tpu.wait_indirect_dma semaphore(%arg7 : memref<!tpu.dma_semaphore, #tpu.memory_space<semaphore_mem>>) src(%dma_wait3A_192 : memref<2500x128xf32, #tpu.memory_space<hbm>>) dst(%dma_wait3A_187 : memref<120x128xf32, #tpu.memory_space<vmem>>)
    %add3A_193 = arith.constant 720 : i32
    %add3A_194 = arith.addi %mul3A_2, %add3A_193 : i32
    %dma_start3A_195 = arith.constant 720 : i32
    %dma_start3A_196 = arith.constant 0 : i32
    %dma_start3A_197 = tpu.memref_slice %arg6[%dma_start3A_195, %dma_start3A_196] : memref<960x128xf32, #tpu.memory_space<vmem>> -> memref<120x128xf32, #tpu.memory_space<vmem>>
    %dma_start3A_198 = arith.constant 0 : i32
    %dma_start3A_199 = tpu.memref_slice %arg4[%add3A_194, %dma_start3A_198] : memref<30720x128xf32, #tpu.memory_space<hbm>> -> memref<120x128xf32, #tpu.memory_space<hbm>>
    %dma_start3A_200 = arith.constant 0 : i32
    %dma_start3A_201 = tpu.memref_slice %arg4[%add3A_194, %dma_start3A_200] : memref<30720x128xf32, #tpu.memory_space<hbm>> -> memref<120x128xf32, #tpu.memory_space<hbm>>
    %dma_start3A_202 = arith.constant 720 : i32
    %dma_start3A_203 = arith.constant 0 : i32
    %dma_start3A_204 = tpu.memref_slice %arg6[%dma_start3A_202, %dma_start3A_203] : memref<960x128xf32, #tpu.memory_space<vmem>> -> memref<120x128xf32, #tpu.memory_space<vmem>>
    tpu.enqueue_dma source(%dma_start3A_204 : memref<120x128xf32, #tpu.memory_space<vmem>>) target(%dma_start3A_201 : memref<120x128xf32, #tpu.memory_space<hbm>>) target_semaphore(%arg8 : memref<!tpu.dma_semaphore, #tpu.memory_space<semaphore_mem>>)
    %dma_wait3A_205 = arith.constant 840 : i32
    %dma_wait3A_206 = arith.constant 0 : i32
    %dma_wait3A_207 = tpu.memref_slice %arg6[%dma_wait3A_205, %dma_wait3A_206] : memref<960x128xf32, #tpu.memory_space<vmem>> -> memref<120x128xf32, #tpu.memory_space<vmem>>
    %dma_wait3A_208 = arith.constant 840 : i32
    %dma_wait3A_209 = tpu.memref_slice %arg5[%dma_wait3A_208] : memref<960xi32, #tpu.memory_space<vmem>> -> memref<120xi32, #tpu.memory_space<vmem>>
    %dma_wait3A_210 = arith.constant 0 : i32
    %dma_wait3A_211 = arith.constant 0 : i32
    %dma_wait3A_212 = tpu.memref_slice %arg3[%dma_wait3A_210, %dma_wait3A_211] : memref<2500x128xf32, #tpu.memory_space<hbm>> -> memref<2500x128xf32, #tpu.memory_space<hbm>>
    tpu.wait_indirect_dma semaphore(%arg7 : memref<!tpu.dma_semaphore, #tpu.memory_space<semaphore_mem>>) src(%dma_wait3A_212 : memref<2500x128xf32, #tpu.memory_space<hbm>>) dst(%dma_wait3A_207 : memref<120x128xf32, #tpu.memory_space<vmem>>)
    %add3A_213 = arith.constant 840 : i32
    %add3A_214 = arith.addi %mul3A_2, %add3A_213 : i32
    %dma_start3A_215 = arith.constant 840 : i32
    %dma_start3A_216 = arith.constant 0 : i32
    %dma_start3A_217 = tpu.memref_slice %arg6[%dma_start3A_215, %dma_start3A_216] : memref<960x128xf32, #tpu.memory_space<vmem>> -> memref<120x128xf32, #tpu.memory_space<vmem>>
    %dma_start3A_218 = arith.constant 0 : i32
    %dma_start3A_219 = tpu.memref_slice %arg4[%add3A_214, %dma_start3A_218] : memref<30720x128xf32, #tpu.memory_space<hbm>> -> memref<120x128xf32, #tpu.memory_space<hbm>>
    %dma_start3A_220 = arith.constant 0 : i32
    %dma_start3A_221 = tpu.memref_slice %arg4[%add3A_214, %dma_start3A_220] : memref<30720x128xf32, #tpu.memory_space<hbm>> -> memref<120x128xf32, #tpu.memory_space<hbm>>
    %dma_start3A_222 = arith.constant 840 : i32
    %dma_start3A_223 = arith.constant 0 : i32
    %dma_start3A_224 = tpu.memref_slice %arg6[%dma_start3A_222, %dma_start3A_223] : memref<960x128xf32, #tpu.memory_space<vmem>> -> memref<120x128xf32, #tpu.memory_space<vmem>>
    tpu.enqueue_dma source(%dma_start3A_224 : memref<120x128xf32, #tpu.memory_space<vmem>>) target(%dma_start3A_221 : memref<120x128xf32, #tpu.memory_space<hbm>>) target_semaphore(%arg8 : memref<!tpu.dma_semaphore, #tpu.memory_space<semaphore_mem>>)
    %dma_wait3A_225 = arith.constant 0 : i32
    %dma_wait3A_226 = arith.constant 0 : i32
    %dma_wait3A_227 = tpu.memref_slice %arg6[%dma_wait3A_225, %dma_wait3A_226] : memref<960x128xf32, #tpu.memory_space<vmem>> -> memref<120x128xf32, #tpu.memory_space<vmem>>
    %dma_wait3A_228 = arith.constant 0 : i32
    %dma_wait3A_229 = tpu.memref_slice %arg4[%add3A_74, %dma_wait3A_228] : memref<30720x128xf32, #tpu.memory_space<hbm>> -> memref<120x128xf32, #tpu.memory_space<hbm>>
    %dma_wait3A_230 = arith.constant 0 : i32
    %dma_wait3A_231 = tpu.memref_slice %arg4[%add3A_74, %dma_wait3A_230] : memref<30720x128xf32, #tpu.memory_space<hbm>> -> memref<120x128xf32, #tpu.memory_space<hbm>>
    %dma_wait3A_232 = arith.constant 0 : i32
    %dma_wait3A_233 = arith.constant 0 : i32
    %dma_wait3A_234 = tpu.memref_slice %arg6[%dma_wait3A_232, %dma_wait3A_233] : memref<960x128xf32, #tpu.memory_space<vmem>> -> memref<120x128xf32, #tpu.memory_space<vmem>>
    tpu.wait_dma2 semaphore(%arg8 : memref<!tpu.dma_semaphore, #tpu.memory_space<semaphore_mem>>) src(%dma_wait3A_234 : memref<120x128xf32, #tpu.memory_space<vmem>>) dst(%dma_wait3A_231 : memref<120x128xf32, #tpu.memory_space<hbm>>)
    %dma_wait3A_235 = arith.constant 120 : i32
    %dma_wait3A_236 = arith.constant 0 : i32
    %dma_wait3A_237 = tpu.memref_slice %arg6[%dma_wait3A_235, %dma_wait3A_236] : memref<960x128xf32, #tpu.memory_space<vmem>> -> memref<120x128xf32, #tpu.memory_space<vmem>>
    %dma_wait3A_238 = arith.constant 0 : i32
    %dma_wait3A_239 = tpu.memref_slice %arg4[%add3A_94, %dma_wait3A_238] : memref<30720x128xf32, #tpu.memory_space<hbm>> -> memref<120x128xf32, #tpu.memory_space<hbm>>
    %dma_wait3A_240 = arith.constant 0 : i32
    %dma_wait3A_241 = tpu.memref_slice %arg4[%add3A_94, %dma_wait3A_240] : memref<30720x128xf32, #tpu.memory_space<hbm>> -> memref<120x128xf32, #tpu.memory_space<hbm>>
    %dma_wait3A_242 = arith.constant 120 : i32
    %dma_wait3A_243 = arith.constant 0 : i32
    %dma_wait3A_244 = tpu.memref_slice %arg6[%dma_wait3A_242, %dma_wait3A_243] : memref<960x128xf32, #tpu.memory_space<vmem>> -> memref<120x128xf32, #tpu.memory_space<vmem>>
    tpu.wait_dma2 semaphore(%arg8 : memref<!tpu.dma_semaphore, #tpu.memory_space<semaphore_mem>>) src(%dma_wait3A_244 : memref<120x128xf32, #tpu.memory_space<vmem>>) dst(%dma_wait3A_241 : memref<120x128xf32, #tpu.memory_space<hbm>>)
    %dma_wait3A_245 = arith.constant 240 : i32
    %dma_wait3A_246 = arith.constant 0 : i32
    %dma_wait3A_247 = tpu.memref_slice %arg6[%dma_wait3A_245, %dma_wait3A_246] : memref<960x128xf32, #tpu.memory_space<vmem>> -> memref<120x128xf32, #tpu.memory_space<vmem>>
    %dma_wait3A_248 = arith.constant 0 : i32
    %dma_wait3A_249 = tpu.memref_slice %arg4[%add3A_114, %dma_wait3A_248] : memref<30720x128xf32, #tpu.memory_space<hbm>> -> memref<120x128xf32, #tpu.memory_space<hbm>>
    %dma_wait3A_250 = arith.constant 0 : i32
    %dma_wait3A_251 = tpu.memref_slice %arg4[%add3A_114, %dma_wait3A_250] : memref<30720x128xf32, #tpu.memory_space<hbm>> -> memref<120x128xf32, #tpu.memory_space<hbm>>
    %dma_wait3A_252 = arith.constant 240 : i32
    %dma_wait3A_253 = arith.constant 0 : i32
    %dma_wait3A_254 = tpu.memref_slice %arg6[%dma_wait3A_252, %dma_wait3A_253] : memref<960x128xf32, #tpu.memory_space<vmem>> -> memref<120x128xf32, #tpu.memory_space<vmem>>
    tpu.wait_dma2 semaphore(%arg8 : memref<!tpu.dma_semaphore, #tpu.memory_space<semaphore_mem>>) src(%dma_wait3A_254 : memref<120x128xf32, #tpu.memory_space<vmem>>) dst(%dma_wait3A_251 : memref<120x128xf32, #tpu.memory_space<hbm>>)
    %dma_wait3A_255 = arith.constant 360 : i32
    %dma_wait3A_256 = arith.constant 0 : i32
    %dma_wait3A_257 = tpu.memref_slice %arg6[%dma_wait3A_255, %dma_wait3A_256] : memref<960x128xf32, #tpu.memory_space<vmem>> -> memref<120x128xf32, #tpu.memory_space<vmem>>
    %dma_wait3A_258 = arith.constant 0 : i32
    %dma_wait3A_259 = tpu.memref_slice %arg4[%add3A_134, %dma_wait3A_258] : memref<30720x128xf32, #tpu.memory_space<hbm>> -> memref<120x128xf32, #tpu.memory_space<hbm>>
    %dma_wait3A_260 = arith.constant 0 : i32
    %dma_wait3A_261 = tpu.memref_slice %arg4[%add3A_134, %dma_wait3A_260] : memref<30720x128xf32, #tpu.memory_space<hbm>> -> memref<120x128xf32, #tpu.memory_space<hbm>>
    %dma_wait3A_262 = arith.constant 360 : i32
    %dma_wait3A_263 = arith.constant 0 : i32
    %dma_wait3A_264 = tpu.memref_slice %arg6[%dma_wait3A_262, %dma_wait3A_263] : memref<960x128xf32, #tpu.memory_space<vmem>> -> memref<120x128xf32, #tpu.memory_space<vmem>>
    tpu.wait_dma2 semaphore(%arg8 : memref<!tpu.dma_semaphore, #tpu.memory_space<semaphore_mem>>) src(%dma_wait3A_264 : memref<120x128xf32, #tpu.memory_space<vmem>>) dst(%dma_wait3A_261 : memref<120x128xf32, #tpu.memory_space<hbm>>)
    %dma_wait3A_265 = arith.constant 480 : i32
    %dma_wait3A_266 = arith.constant 0 : i32
    %dma_wait3A_267 = tpu.memref_slice %arg6[%dma_wait3A_265, %dma_wait3A_266] : memref<960x128xf32, #tpu.memory_space<vmem>> -> memref<120x128xf32, #tpu.memory_space<vmem>>
    %dma_wait3A_268 = arith.constant 0 : i32
    %dma_wait3A_269 = tpu.memref_slice %arg4[%add3A_154, %dma_wait3A_268] : memref<30720x128xf32, #tpu.memory_space<hbm>> -> memref<120x128xf32, #tpu.memory_space<hbm>>
    %dma_wait3A_270 = arith.constant 0 : i32
    %dma_wait3A_271 = tpu.memref_slice %arg4[%add3A_154, %dma_wait3A_270] : memref<30720x128xf32, #tpu.memory_space<hbm>> -> memref<120x128xf32, #tpu.memory_space<hbm>>
    %dma_wait3A_272 = arith.constant 480 : i32
    %dma_wait3A_273 = arith.constant 0 : i32
    %dma_wait3A_274 = tpu.memref_slice %arg6[%dma_wait3A_272, %dma_wait3A_273] : memref<960x128xf32, #tpu.memory_space<vmem>> -> memref<120x128xf32, #tpu.memory_space<vmem>>
    tpu.wait_dma2 semaphore(%arg8 : memref<!tpu.dma_semaphore, #tpu.memory_space<semaphore_mem>>) src(%dma_wait3A_274 : memref<120x128xf32, #tpu.memory_space<vmem>>) dst(%dma_wait3A_271 : memref<120x128xf32, #tpu.memory_space<hbm>>)
    %dma_wait3A_275 = arith.constant 600 : i32
    %dma_wait3A_276 = arith.constant 0 : i32
    %dma_wait3A_277 = tpu.memref_slice %arg6[%dma_wait3A_275, %dma_wait3A_276] : memref<960x128xf32, #tpu.memory_space<vmem>> -> memref<120x128xf32, #tpu.memory_space<vmem>>
    %dma_wait3A_278 = arith.constant 0 : i32
    %dma_wait3A_279 = tpu.memref_slice %arg4[%add3A_174, %dma_wait3A_278] : memref<30720x128xf32, #tpu.memory_space<hbm>> -> memref<120x128xf32, #tpu.memory_space<hbm>>
    %dma_wait3A_280 = arith.constant 0 : i32
    %dma_wait3A_281 = tpu.memref_slice %arg4[%add3A_174, %dma_wait3A_280] : memref<30720x128xf32, #tpu.memory_space<hbm>> -> memref<120x128xf32, #tpu.memory_space<hbm>>
    %dma_wait3A_282 = arith.constant 600 : i32
    %dma_wait3A_283 = arith.constant 0 : i32
    %dma_wait3A_284 = tpu.memref_slice %arg6[%dma_wait3A_282, %dma_wait3A_283] : memref<960x128xf32, #tpu.memory_space<vmem>> -> memref<120x128xf32, #tpu.memory_space<vmem>>
    tpu.wait_dma2 semaphore(%arg8 : memref<!tpu.dma_semaphore, #tpu.memory_space<semaphore_mem>>) src(%dma_wait3A_284 : memref<120x128xf32, #tpu.memory_space<vmem>>) dst(%dma_wait3A_281 : memref<120x128xf32, #tpu.memory_space<hbm>>)
    %dma_wait3A_285 = arith.constant 720 : i32
    %dma_wait3A_286 = arith.constant 0 : i32
    %dma_wait3A_287 = tpu.memref_slice %arg6[%dma_wait3A_285, %dma_wait3A_286] : memref<960x128xf32, #tpu.memory_space<vmem>> -> memref<120x128xf32, #tpu.memory_space<vmem>>
    %dma_wait3A_288 = arith.constant 0 : i32
    %dma_wait3A_289 = tpu.memref_slice %arg4[%add3A_194, %dma_wait3A_288] : memref<30720x128xf32, #tpu.memory_space<hbm>> -> memref<120x128xf32, #tpu.memory_space<hbm>>
    %dma_wait3A_290 = arith.constant 0 : i32
    %dma_wait3A_291 = tpu.memref_slice %arg4[%add3A_194, %dma_wait3A_290] : memref<30720x128xf32, #tpu.memory_space<hbm>> -> memref<120x128xf32, #tpu.memory_space<hbm>>
    %dma_wait3A_292 = arith.constant 720 : i32
    %dma_wait3A_293 = arith.constant 0 : i32
    %dma_wait3A_294 = tpu.memref_slice %arg6[%dma_wait3A_292, %dma_wait3A_293] : memref<960x128xf32, #tpu.memory_space<vmem>> -> memref<120x128xf32, #tpu.memory_space<vmem>>
    tpu.wait_dma2 semaphore(%arg8 : memref<!tpu.dma_semaphore, #tpu.memory_space<semaphore_mem>>) src(%dma_wait3A_294 : memref<120x128xf32, #tpu.memory_space<vmem>>) dst(%dma_wait3A_291 : memref<120x128xf32, #tpu.memory_space<hbm>>)
    %dma_wait3A_295 = arith.constant 840 : i32
    %dma_wait3A_296 = arith.constant 0 : i32
    %dma_wait3A_297 = tpu.memref_slice %arg6[%dma_wait3A_295, %dma_wait3A_296] : memref<960x128xf32, #tpu.memory_space<vmem>> -> memref<120x128xf32, #tpu.memory_space<vmem>>
    %dma_wait3A_298 = arith.constant 0 : i32
    %dma_wait3A_299 = tpu.memref_slice %arg4[%add3A_214, %dma_wait3A_298] : memref<30720x128xf32, #tpu.memory_space<hbm>> -> memref<120x128xf32, #tpu.memory_space<hbm>>
    %dma_wait3A_300 = arith.constant 0 : i32
    %dma_wait3A_301 = tpu.memref_slice %arg4[%add3A_214, %dma_wait3A_300] : memref<30720x128xf32, #tpu.memory_space<hbm>> -> memref<120x128xf32, #tpu.memory_space<hbm>>
    %dma_wait3A_302 = arith.constant 840 : i32
    %dma_wait3A_303 = arith.constant 0 : i32
    %dma_wait3A_304 = tpu.memref_slice %arg6[%dma_wait3A_302, %dma_wait3A_303] : memref<960x128xf32, #tpu.memory_space<vmem>> -> memref<120x128xf32, #tpu.memory_space<vmem>>
    tpu.wait_dma2 semaphore(%arg8 : memref<!tpu.dma_semaphore, #tpu.memory_space<semaphore_mem>>) src(%dma_wait3A_304 : memref<120x128xf32, #tpu.memory_space<vmem>>) dst(%dma_wait3A_301 : memref<120x128xf32, #tpu.memory_space<hbm>>)
    return
  }
}

module attributes {stable_mosaic.version = 14 : i64} {
  func.func @_stage3_body(%arg0: i32, %arg1: memref<1000x3xf32, #tpu.memory_space<vmem>>, %arg2: memref<3x2500xf32, #tpu.memory_space<vmem>>, %arg3: memref<1000x128xf32, #tpu.memory_space<vmem>>, %arg4: memref<1x128xf32, #tpu.memory_space<vmem>>, %arg5: memref<1x128xf32, #tpu.memory_space<vmem>>, %arg6: memref<128x128xf32, #tpu.memory_space<vmem>>, %arg7: memref<1x128xf32, #tpu.memory_space<vmem>>, %arg8: memref<1000x128xf32, #tpu.memory_space<vmem>>, %arg9: memref<1000x3xi32, #tpu.memory_space<vmem>>, %arg10: memref<1000x3xf32, #tpu.memory_space<vmem>>) attributes {dimension_semantics = [#tpu.dimension_semantics<arbitrary>], iteration_bounds = array<i64: 10>, scalar_prefetch = 0 : i64, scratch_operands = 0 : i64, tpu.core_type = #tpu.core_type<tc>, window_params = [{transform_indices = @transform_0, window_bounds = array<i64: 1000, 3>}, {pipeline_mode = #tpu.pipeline_mode<synchronous>, transform_indices = @transform_1, window_bounds = array<i64: 3, 2500>}, {transform_indices = @transform_2, window_bounds = array<i64: 1000, 128>}, {pipeline_mode = #tpu.pipeline_mode<synchronous>, transform_indices = @transform_3, window_bounds = array<i64: 1, 128>}, {pipeline_mode = #tpu.pipeline_mode<synchronous>, transform_indices = @transform_4, window_bounds = array<i64: 1, 128>}, {pipeline_mode = #tpu.pipeline_mode<synchronous>, transform_indices = @transform_5, window_bounds = array<i64: 128, 128>}, {pipeline_mode = #tpu.pipeline_mode<synchronous>, transform_indices = @transform_6, window_bounds = array<i64: 1, 128>}, {transform_indices = @transform_7, window_bounds = array<i64: 1000, 128>}, {transform_indices = @transform_8, window_bounds = array<i64: 1000, 3>}, {transform_indices = @transform_9, window_bounds = array<i64: 1000, 3>}]} {
    %get3A = arith.constant 0 : index
    %get3A_0 = arith.constant 0 : index
    %get3A_1 = vector.load %arg3[%get3A, %get3A_0] : memref<1000x128xf32, #tpu.memory_space<vmem>>, vector<1000x128xf32>
    %get3A_2 = arith.constant 0 : index
    %get3A_3 = arith.constant 0 : index
    %get3A_4 = vector.load %arg4[%get3A_2, %get3A_3] : memref<1x128xf32, #tpu.memory_space<vmem>>, vector<1x128xf32>
    %get3A_5 = arith.constant 0 : index
    %get3A_6 = arith.constant 0 : index
    %get3A_7 = vector.load %arg5[%get3A_5, %get3A_6] : memref<1x128xf32, #tpu.memory_space<vmem>>, vector<1x128xf32>
    %reduce_sum3A = arith.constant dense<0.000000e+00> : vector<1000xf32>
    %reduce_sum3A_8 = vector.multi_reduction <add>, %get3A_1, %reduce_sum3A [1] : vector<1000x128xf32> to vector<1000xf32>
    %broadcast_in_dim3A = vector.shape_cast %reduce_sum3A_8 : vector<1000xf32> to vector<1000x1xf32>
    %div3A = arith.constant 1.280000e+02 : f32
    %div3A_9 = vector.broadcast %div3A : f32 to vector<1000x1xf32>
    %div3A_10 = arith.divf %broadcast_in_dim3A, %div3A_9 : vector<1000x1xf32>
    %sub3A = vector.broadcast %div3A_10 : vector<1000x1xf32> to vector<1000x128xf32>
    %sub3A_11 = arith.subf %get3A_1, %sub3A : vector<1000x128xf32>
    %integer_pow3A = arith.mulf %sub3A_11, %sub3A_11 : vector<1000x128xf32>
    %reduce_sum3A_12 = arith.constant dense<0.000000e+00> : vector<1000xf32>
    %reduce_sum3A_13 = vector.multi_reduction <add>, %integer_pow3A, %reduce_sum3A_12 [1] : vector<1000x128xf32> to vector<1000xf32>
    %broadcast_in_dim3A_14 = vector.shape_cast %reduce_sum3A_13 : vector<1000xf32> to vector<1000x1xf32>
    %div3A_15 = arith.constant 1.280000e+02 : f32
    %div3A_16 = vector.broadcast %div3A_15 : f32 to vector<1000x1xf32>
    %div3A_17 = arith.divf %broadcast_in_dim3A_14, %div3A_16 : vector<1000x1xf32>
    %sub3A_18 = vector.broadcast %div3A_10 : vector<1000x1xf32> to vector<1000x128xf32>
    %sub3A_19 = arith.subf %get3A_1, %sub3A_18 : vector<1000x128xf32>
    %add3A = arith.constant 9.99999974E-6 : f32
    %add3A_20 = vector.broadcast %add3A : f32 to vector<1000x1xf32>
    %add3A_21 = arith.addf %div3A_17, %add3A_20 : vector<1000x1xf32>
    %sqrt3A = math.sqrt %add3A_21 : vector<1000x1xf32>
    %div3A_22 = vector.broadcast %sqrt3A : vector<1000x1xf32> to vector<1000x128xf32>
    %div3A_23 = arith.divf %sub3A_19, %div3A_22 : vector<1000x128xf32>
    %mul3A = vector.broadcast %get3A_4 : vector<1x128xf32> to vector<1000x128xf32>
    %mul3A_24 = arith.mulf %div3A_23, %mul3A : vector<1000x128xf32>
    %add3A_25 = vector.broadcast %get3A_7 : vector<1x128xf32> to vector<1000x128xf32>
    %add3A_26 = arith.addf %mul3A_24, %add3A_25 : vector<1000x128xf32>
    %get3A_27 = arith.constant 0 : index
    %get3A_28 = arith.constant 0 : index
    %get3A_29 = vector.load %arg6[%get3A_27, %get3A_28] : memref<128x128xf32, #tpu.memory_space<vmem>>, vector<128x128xf32>
    %dot_general3A = arith.constant dense<0.000000e+00> : vector<1000x128xf32>
    %dot_general3A_30 = tpu.matmul %add3A_26, %get3A_29, %dot_general3A {dimension_numbers = #tpu.dot_dimension_numbers<[1], [0], [0], [1], [0, 0, 1, 1], [], []>, transpose_lhs_hint = false} : vector<1000x128xf32>, vector<128x128xf32>, vector<1000x128xf32> -> vector<1000x128xf32>
    %get3A_31 = arith.constant 0 : index
    %get3A_32 = arith.constant 0 : index
    %get3A_33 = vector.load %arg7[%get3A_31, %get3A_32] : memref<1x128xf32, #tpu.memory_space<vmem>>, vector<1x128xf32>
    %add3A_34 = vector.broadcast %get3A_33 : vector<1x128xf32> to vector<1000x128xf32>
    %add3A_35 = arith.addf %dot_general3A_30, %add3A_34 : vector<1000x128xf32>
    %swap3A = arith.constant 0 : index
    %swap3A_36 = arith.constant 0 : index
    %swap3A_37 = vector.load %arg8[%swap3A, %swap3A_36] : memref<1000x128xf32, #tpu.memory_space<vmem>>, vector<1000x128xf32>
    tpu.vector_store %arg8[%swap3A, %swap3A_36], %add3A_35 {strides = array<i32>} : memref<1000x128xf32, #tpu.memory_space<vmem>>, vector<1000x128xf32>,
    %get3A_38 = arith.constant 0 : index
    %get3A_39 = arith.constant 0 : index
    %get3A_40 = vector.load %arg1[%get3A_38, %get3A_39] : memref<1000x3xf32, #tpu.memory_space<vmem>>, vector<1000x3xf32>
    %get3A_41 = arith.constant 0 : index
    %get3A_42 = arith.constant 0 : index
    %get3A_43 = vector.load %arg2[%get3A_41, %get3A_42] : memref<3x2500xf32, #tpu.memory_space<vmem>>, vector<3x2500xf32>
    %slice3A = vector.extract_strided_slice %get3A_40 {offsets = [0, 0], sizes = [1000, 1], strides = [1, 1]} : vector<1000x3xf32> to vector<1000x1xf32>
    %slice3A_44 = vector.extract_strided_slice %get3A_43 {offsets = [0, 0], sizes = [1, 2500], strides = [1, 1]} : vector<3x2500xf32> to vector<1x2500xf32>
    %sub3A_45 = vector.broadcast %slice3A : vector<1000x1xf32> to vector<1000x2500xf32>
    %sub3A_46 = vector.broadcast %slice3A_44 : vector<1x2500xf32> to vector<1000x2500xf32>
    %sub3A_47 = arith.subf %sub3A_45, %sub3A_46 : vector<1000x2500xf32>
    %mul3A_48 = arith.mulf %sub3A_47, %sub3A_47 : vector<1000x2500xf32>
    %slice3A_49 = vector.extract_strided_slice %get3A_40 {offsets = [0, 1], sizes = [1000, 1], strides = [1, 1]} : vector<1000x3xf32> to vector<1000x1xf32>
    %slice3A_50 = vector.extract_strided_slice %get3A_43 {offsets = [1, 0], sizes = [1, 2500], strides = [1, 1]} : vector<3x2500xf32> to vector<1x2500xf32>
    %sub3A_51 = vector.broadcast %slice3A_49 : vector<1000x1xf32> to vector<1000x2500xf32>
    %sub3A_52 = vector.broadcast %slice3A_50 : vector<1x2500xf32> to vector<1000x2500xf32>
    %sub3A_53 = arith.subf %sub3A_51, %sub3A_52 : vector<1000x2500xf32>
    %mul3A_54 = arith.mulf %sub3A_53, %sub3A_53 : vector<1000x2500xf32>
    %add3A_55 = arith.addf %mul3A_48, %mul3A_54 : vector<1000x2500xf32>
    %slice3A_56 = vector.extract_strided_slice %get3A_40 {offsets = [0, 2], sizes = [1000, 1], strides = [1, 1]} : vector<1000x3xf32> to vector<1000x1xf32>
    %slice3A_57 = vector.extract_strided_slice %get3A_43 {offsets = [2, 0], sizes = [1, 2500], strides = [1, 1]} : vector<3x2500xf32> to vector<1x2500xf32>
    %sub3A_58 = vector.broadcast %slice3A_56 : vector<1000x1xf32> to vector<1000x2500xf32>
    %sub3A_59 = vector.broadcast %slice3A_57 : vector<1x2500xf32> to vector<1000x2500xf32>
    %sub3A_60 = arith.subf %sub3A_58, %sub3A_59 : vector<1000x2500xf32>
    %mul3A_61 = arith.mulf %sub3A_60, %sub3A_60 : vector<1000x2500xf32>
    %add3A_62 = arith.addf %add3A_55, %mul3A_61 : vector<1000x2500xf32>
    %iota3A = tpu.iota {dimensions = array<i32: 1>} : vector<1000x2500xi32>
    %convert_element_type3A = arith.sitofp %iota3A : vector<1000x2500xi32> to vector<1000x2500xf32>
    %reduce_min3A = arith.constant dense<0x7F800000> : vector<1000xf32>
    %reduce_min3A_63 = vector.multi_reduction <minimumf>, %add3A_62, %reduce_min3A [1] : vector<1000x2500xf32> to vector<1000xf32>
    %broadcast_in_dim3A_64 = vector.shape_cast %reduce_min3A_63 : vector<1000xf32> to vector<1000x1xf32>
    %eq3A = vector.broadcast %broadcast_in_dim3A_64 : vector<1000x1xf32> to vector<1000x2500xf32>
    %eq3A_65 = arith.cmpf oeq, %add3A_62, %eq3A : vector<1000x2500xf32>
    %jit3A = arith.constant 2.500000e+03 : f32
    %broadcast_in_dim3A_66 = vector.broadcast %jit3A : f32 to vector<1000x2500xf32>
    %select_n3A = arith.select %eq3A_65, %convert_element_type3A, %broadcast_in_dim3A_66 : vector<1000x2500xi1>, vector<1000x2500xf32>
    %reduce_min3A_67 = arith.constant dense<0x7F800000> : vector<1000xf32>
    %reduce_min3A_68 = vector.multi_reduction <minimumf>, %select_n3A, %reduce_min3A_67 [1] : vector<1000x2500xf32> to vector<1000xf32>
    %broadcast_in_dim3A_69 = vector.shape_cast %reduce_min3A_68 : vector<1000xf32> to vector<1000x1xf32>
    %max3A = arith.constant 1.000000e-10 : f32
    %max3A_70 = vector.broadcast %max3A : f32 to vector<1000x1xf32>
    %max3A_71 = arith.maximumf %broadcast_in_dim3A_64, %max3A_70 : vector<1000x1xf32>
    %sqrt3A_72 = math.sqrt %max3A_71 : vector<1000x1xf32>
    %add3A_73 = arith.constant 9.99999993E-9 : f32
    %add3A_74 = vector.broadcast %add3A_73 : f32 to vector<1000x1xf32>
    %add3A_75 = arith.addf %sqrt3A_72, %add3A_74 : vector<1000x1xf32>
    %div3A_76 = arith.constant 1.000000e+00 : f32
    %div3A_77 = vector.broadcast %div3A_76 : f32 to vector<1000x1xf32>
    %div3A_78 = arith.divf %div3A_77, %add3A_75 : vector<1000x1xf32>
    %eq3A_79 = vector.broadcast %broadcast_in_dim3A_69 : vector<1000x1xf32> to vector<1000x2500xf32>
    %eq3A_80 = arith.cmpf oeq, %convert_element_type3A, %eq3A_79 : vector<1000x2500xf32>
    %jit3A_81 = arith.constant 0x7F800000 : f32
    %broadcast_in_dim3A_82 = vector.broadcast %jit3A_81 : f32 to vector<1000x2500xf32>
    %select_n3A_83 = arith.select %eq3A_80, %broadcast_in_dim3A_82, %add3A_62 : vector<1000x2500xi1>, vector<1000x2500xf32>
    %reduce_min3A_84 = arith.constant dense<0x7F800000> : vector<1000xf32>
    %reduce_min3A_85 = vector.multi_reduction <minimumf>, %select_n3A_83, %reduce_min3A_84 [1] : vector<1000x2500xf32> to vector<1000xf32>
    %broadcast_in_dim3A_86 = vector.shape_cast %reduce_min3A_85 : vector<1000xf32> to vector<1000x1xf32>
    %eq3A_87 = vector.broadcast %broadcast_in_dim3A_86 : vector<1000x1xf32> to vector<1000x2500xf32>
    %eq3A_88 = arith.cmpf oeq, %select_n3A_83, %eq3A_87 : vector<1000x2500xf32>
    %jit3A_89 = arith.constant 2.500000e+03 : f32
    %broadcast_in_dim3A_90 = vector.broadcast %jit3A_89 : f32 to vector<1000x2500xf32>
    %select_n3A_91 = arith.select %eq3A_88, %convert_element_type3A, %broadcast_in_dim3A_90 : vector<1000x2500xi1>, vector<1000x2500xf32>
    %reduce_min3A_92 = arith.constant dense<0x7F800000> : vector<1000xf32>
    %reduce_min3A_93 = vector.multi_reduction <minimumf>, %select_n3A_91, %reduce_min3A_92 [1] : vector<1000x2500xf32> to vector<1000xf32>
    %broadcast_in_dim3A_94 = vector.shape_cast %reduce_min3A_93 : vector<1000xf32> to vector<1000x1xf32>
    %max3A_95 = arith.constant 1.000000e-10 : f32
    %max3A_96 = vector.broadcast %max3A_95 : f32 to vector<1000x1xf32>
    %max3A_97 = arith.maximumf %broadcast_in_dim3A_86, %max3A_96 : vector<1000x1xf32>
    %sqrt3A_98 = math.sqrt %max3A_97 : vector<1000x1xf32>
    %add3A_99 = arith.constant 9.99999993E-9 : f32
    %add3A_100 = vector.broadcast %add3A_99 : f32 to vector<1000x1xf32>
    %add3A_101 = arith.addf %sqrt3A_98, %add3A_100 : vector<1000x1xf32>
    %div3A_102 = arith.constant 1.000000e+00 : f32
    %div3A_103 = vector.broadcast %div3A_102 : f32 to vector<1000x1xf32>
    %div3A_104 = arith.divf %div3A_103, %add3A_101 : vector<1000x1xf32>
    %add3A_105 = arith.addf %div3A_78, %div3A_104 : vector<1000x1xf32>
    %eq3A_106 = vector.broadcast %broadcast_in_dim3A_94 : vector<1000x1xf32> to vector<1000x2500xf32>
    %eq3A_107 = arith.cmpf oeq, %convert_element_type3A, %eq3A_106 : vector<1000x2500xf32>
    %jit3A_108 = arith.constant 0x7F800000 : f32
    %broadcast_in_dim3A_109 = vector.broadcast %jit3A_108 : f32 to vector<1000x2500xf32>
    %select_n3A_110 = arith.select %eq3A_107, %broadcast_in_dim3A_109, %select_n3A_83 : vector<1000x2500xi1>, vector<1000x2500xf32>
    %reduce_min3A_111 = arith.constant dense<0x7F800000> : vector<1000xf32>
    %reduce_min3A_112 = vector.multi_reduction <minimumf>, %select_n3A_110, %reduce_min3A_111 [1] : vector<1000x2500xf32> to vector<1000xf32>
    %broadcast_in_dim3A_113 = vector.shape_cast %reduce_min3A_112 : vector<1000xf32> to vector<1000x1xf32>
    %eq3A_114 = vector.broadcast %broadcast_in_dim3A_113 : vector<1000x1xf32> to vector<1000x2500xf32>
    %eq3A_115 = arith.cmpf oeq, %select_n3A_110, %eq3A_114 : vector<1000x2500xf32>
    %jit3A_116 = arith.constant 2.500000e+03 : f32
    %broadcast_in_dim3A_117 = vector.broadcast %jit3A_116 : f32 to vector<1000x2500xf32>
    %select_n3A_118 = arith.select %eq3A_115, %convert_element_type3A, %broadcast_in_dim3A_117 : vector<1000x2500xi1>, vector<1000x2500xf32>
    %reduce_min3A_119 = arith.constant dense<0x7F800000> : vector<1000xf32>
    %reduce_min3A_120 = vector.multi_reduction <minimumf>, %select_n3A_118, %reduce_min3A_119 [1] : vector<1000x2500xf32> to vector<1000xf32>
    %broadcast_in_dim3A_121 = vector.shape_cast %reduce_min3A_120 : vector<1000xf32> to vector<1000x1xf32>
    %max3A_122 = arith.constant 1.000000e-10 : f32
    %max3A_123 = vector.broadcast %max3A_122 : f32 to vector<1000x1xf32>
    %max3A_124 = arith.maximumf %broadcast_in_dim3A_113, %max3A_123 : vector<1000x1xf32>
    %sqrt3A_125 = math.sqrt %max3A_124 : vector<1000x1xf32>
    %add3A_126 = arith.constant 9.99999993E-9 : f32
    %add3A_127 = vector.broadcast %add3A_126 : f32 to vector<1000x1xf32>
    %add3A_128 = arith.addf %sqrt3A_125, %add3A_127 : vector<1000x1xf32>
    %div3A_129 = arith.constant 1.000000e+00 : f32
    %div3A_130 = vector.broadcast %div3A_129 : f32 to vector<1000x1xf32>
    %div3A_131 = arith.divf %div3A_130, %add3A_128 : vector<1000x1xf32>
    %add3A_132 = arith.addf %add3A_105, %div3A_131 : vector<1000x1xf32>
    %concatenate3A = tpu.concatenate %broadcast_in_dim3A_69, %broadcast_in_dim3A_94, %broadcast_in_dim3A_121 in 1 : vector<1000x1xf32>, vector<1000x1xf32>, vector<1000x1xf32> -> vector<1000x3xf32>
    %convert_element_type3A_133 = arith.fptosi %concatenate3A : vector<1000x3xf32> to vector<1000x3xi32>
    %div3A_134 = arith.divf %div3A_78, %add3A_132 : vector<1000x1xf32>
    %div3A_135 = arith.divf %div3A_104, %add3A_132 : vector<1000x1xf32>
    %div3A_136 = arith.divf %div3A_131, %add3A_132 : vector<1000x1xf32>
    %concatenate3A_137 = tpu.concatenate %div3A_134, %div3A_135, %div3A_136 in 1 : vector<1000x1xf32>, vector<1000x1xf32>, vector<1000x1xf32> -> vector<1000x3xf32>
    %swap3A_138 = arith.constant 0 : index
    %swap3A_139 = arith.constant 0 : index
    %swap3A_140 = vector.load %arg9[%swap3A_138, %swap3A_139] : memref<1000x3xi32, #tpu.memory_space<vmem>>, vector<1000x3xi32>
    tpu.vector_store %arg9[%swap3A_138, %swap3A_139], %convert_element_type3A_133 {strides = array<i32>} : memref<1000x3xi32, #tpu.memory_space<vmem>>, vector<1000x3xi32>,
    %swap3A_141 = arith.constant 0 : index
    %swap3A_142 = arith.constant 0 : index
    %swap3A_143 = vector.load %arg10[%swap3A_141, %swap3A_142] : memref<1000x3xf32, #tpu.memory_space<vmem>>, vector<1000x3xf32>
    tpu.vector_store %arg10[%swap3A_141, %swap3A_142], %concatenate3A_137 {strides = array<i32>} : memref<1000x3xf32, #tpu.memory_space<vmem>>, vector<1000x3xf32>,
    return
  }
  func.func @transform_0(%arg0: i32) -> (i32, i32) {
    %c0_i32 = arith.constant 0 : i32
    %c0_i32_0 = arith.constant 0 : i32
    return %arg0, %c0_i32 : i32, i32
  }
  func.func @transform_1(%arg0: i32) -> (i32, i32) {
    %c0_i32 = arith.constant 0 : i32
    %c0_i32_0 = arith.constant 0 : i32
    %c0_i32_1 = arith.constant 0 : i32
    return %c0_i32, %c0_i32_0 : i32, i32
  }
  func.func @transform_2(%arg0: i32) -> (i32, i32) {
    %c0_i32 = arith.constant 0 : i32
    %c0_i32_0 = arith.constant 0 : i32
    return %arg0, %c0_i32 : i32, i32
  }
  func.func @transform_3(%arg0: i32) -> (i32, i32) {
    %c0_i32 = arith.constant 0 : i32
    %c0_i32_0 = arith.constant 0 : i32
    %c0_i32_1 = arith.constant 0 : i32
    return %c0_i32, %c0_i32_0 : i32, i32
  }
  func.func @transform_4(%arg0: i32) -> (i32, i32) {
    %c0_i32 = arith.constant 0 : i32
    %c0_i32_0 = arith.constant 0 : i32
    %c0_i32_1 = arith.constant 0 : i32
    return %c0_i32, %c0_i32_0 : i32, i32
  }
  func.func @transform_5(%arg0: i32) -> (i32, i32) {
    %c0_i32 = arith.constant 0 : i32
    %c0_i32_0 = arith.constant 0 : i32
    %c0_i32_1 = arith.constant 0 : i32
    return %c0_i32, %c0_i32_0 : i32, i32
  }
  func.func @transform_6(%arg0: i32) -> (i32, i32) {
    %c0_i32 = arith.constant 0 : i32
    %c0_i32_0 = arith.constant 0 : i32
    %c0_i32_1 = arith.constant 0 : i32
    return %c0_i32, %c0_i32_0 : i32, i32
  }
  func.func @transform_7(%arg0: i32) -> (i32, i32) {
    %c0_i32 = arith.constant 0 : i32
    %c0_i32_0 = arith.constant 0 : i32
    return %arg0, %c0_i32 : i32, i32
  }
  func.func @transform_8(%arg0: i32) -> (i32, i32) {
    %c0_i32 = arith.constant 0 : i32
    %c0_i32_0 = arith.constant 0 : i32
    return %arg0, %c0_i32 : i32, i32
  }
  func.func @transform_9(%arg0: i32) -> (i32, i32) {
    %c0_i32 = arith.constant 0 : i32
    %c0_i32_0 = arith.constant 0 : i32
    return %arg0, %c0_i32 : i32, i32
  }
}

module attributes {stable_mosaic.version = 14 : i64} {
  func.func @_stages012_body(%arg0: memref<39x512xf32, #tpu.memory_space<vmem>>, %arg1: memref<3x39xf32, #tpu.memory_space<vmem>>, %arg2: memref<156x3xf32, #tpu.memory_space<vmem>>, %arg3: memref<156x512xf32, #tpu.memory_space<vmem>>, %arg4: memref<3x156xf32, #tpu.memory_space<vmem>>, %arg5: memref<625x3xf32, #tpu.memory_space<vmem>>, %arg6: memref<625x512xf32, #tpu.memory_space<vmem>>, %arg7: memref<3x625xf32, #tpu.memory_space<vmem>>, %arg8: memref<2500x3xf32, #tpu.memory_space<vmem>>, %arg9: memref<2500x256xf32, #tpu.memory_space<vmem>>, %arg10: memref<1x512xf32, #tpu.memory_space<vmem>>, %arg11: memref<1x512xf32, #tpu.memory_space<vmem>>, %arg12: memref<512x512xf32, #tpu.memory_space<vmem>>, %arg13: memref<1x512xf32, #tpu.memory_space<vmem>>, %arg14: memref<1x512xf32, #tpu.memory_space<vmem>>, %arg15: memref<1x512xf32, #tpu.memory_space<vmem>>, %arg16: memref<512x512xf32, #tpu.memory_space<vmem>>, %arg17: memref<1x512xf32, #tpu.memory_space<vmem>>, %arg18: memref<1x512xf32, #tpu.memory_space<vmem>>, %arg19: memref<1x512xf32, #tpu.memory_space<vmem>>, %arg20: memref<512x512xf32, #tpu.memory_space<vmem>>, %arg21: memref<1x512xf32, #tpu.memory_space<vmem>>, %arg22: memref<1x512xf32, #tpu.memory_space<vmem>>, %arg23: memref<1x512xf32, #tpu.memory_space<vmem>>, %arg24: memref<512x512xf32, #tpu.memory_space<vmem>>, %arg25: memref<1x512xf32, #tpu.memory_space<vmem>>, %arg26: memref<1x256xf32, #tpu.memory_space<vmem>>, %arg27: memref<1x256xf32, #tpu.memory_space<vmem>>, %arg28: memref<256x256xf32, #tpu.memory_space<vmem>>, %arg29: memref<1x256xf32, #tpu.memory_space<vmem>>, %arg30: memref<1x512xf32, #tpu.memory_space<vmem>>, %arg31: memref<1x512xf32, #tpu.memory_space<vmem>>, %arg32: memref<512x256xf32, #tpu.memory_space<vmem>>, %arg33: memref<1x256xf32, #tpu.memory_space<vmem>>, %arg34: memref<1x256xf32, #tpu.memory_space<vmem>>, %arg35: memref<1x256xf32, #tpu.memory_space<vmem>>, %arg36: memref<256x128xf32, #tpu.memory_space<vmem>>, %arg37: memref<1x128xf32, #tpu.memory_space<vmem>>, %arg38: memref<2500x128xf32, #tpu.memory_space<vmem>>) attributes {dimension_semantics = [], scalar_prefetch = 0 : i64, scratch_operands = 0 : i64, tpu.core_type = #tpu.core_type<tc>} {
    %get3A = arith.constant 0 : index
    %get3A_0 = arith.constant 0 : index
    %get3A_1 = vector.load %arg0[%get3A, %get3A_0] : memref<39x512xf32, #tpu.memory_space<vmem>>, vector<39x512xf32>
    %get3A_2 = arith.constant 0 : index
    %get3A_3 = arith.constant 0 : index
    %get3A_4 = vector.load %arg3[%get3A_2, %get3A_3] : memref<156x512xf32, #tpu.memory_space<vmem>>, vector<156x512xf32>
    %get3A_5 = arith.constant 0 : index
    %get3A_6 = arith.constant 0 : index
    %get3A_7 = vector.load %arg10[%get3A_5, %get3A_6] : memref<1x512xf32, #tpu.memory_space<vmem>>, vector<1x512xf32>
    %get3A_8 = arith.constant 0 : index
    %get3A_9 = arith.constant 0 : index
    %get3A_10 = vector.load %arg11[%get3A_8, %get3A_9] : memref<1x512xf32, #tpu.memory_space<vmem>>, vector<1x512xf32>
    %reduce_sum3A = arith.constant dense<0.000000e+00> : vector<156xf32>
    %reduce_sum3A_11 = vector.multi_reduction <add>, %get3A_4, %reduce_sum3A [1] : vector<156x512xf32> to vector<156xf32>
    %broadcast_in_dim3A = vector.shape_cast %reduce_sum3A_11 : vector<156xf32> to vector<156x1xf32>
    %div3A = arith.constant 5.120000e+02 : f32
    %div3A_12 = vector.broadcast %div3A : f32 to vector<156x1xf32>
    %div3A_13 = arith.divf %broadcast_in_dim3A, %div3A_12 : vector<156x1xf32>
    %sub3A = vector.broadcast %div3A_13 : vector<156x1xf32> to vector<156x512xf32>
    %sub3A_14 = arith.subf %get3A_4, %sub3A : vector<156x512xf32>
    %integer_pow3A = arith.mulf %sub3A_14, %sub3A_14 : vector<156x512xf32>
    %reduce_sum3A_15 = arith.constant dense<0.000000e+00> : vector<156xf32>
    %reduce_sum3A_16 = vector.multi_reduction <add>, %integer_pow3A, %reduce_sum3A_15 [1] : vector<156x512xf32> to vector<156xf32>
    %broadcast_in_dim3A_17 = vector.shape_cast %reduce_sum3A_16 : vector<156xf32> to vector<156x1xf32>
    %div3A_18 = arith.constant 5.120000e+02 : f32
    %div3A_19 = vector.broadcast %div3A_18 : f32 to vector<156x1xf32>
    %div3A_20 = arith.divf %broadcast_in_dim3A_17, %div3A_19 : vector<156x1xf32>
    %sub3A_21 = vector.broadcast %div3A_13 : vector<156x1xf32> to vector<156x512xf32>
    %sub3A_22 = arith.subf %get3A_4, %sub3A_21 : vector<156x512xf32>
    %add3A = arith.constant 9.99999974E-6 : f32
    %add3A_23 = vector.broadcast %add3A : f32 to vector<156x1xf32>
    %add3A_24 = arith.addf %div3A_20, %add3A_23 : vector<156x1xf32>
    %sqrt3A = math.sqrt %add3A_24 : vector<156x1xf32>
    %div3A_25 = vector.broadcast %sqrt3A : vector<156x1xf32> to vector<156x512xf32>
    %div3A_26 = arith.divf %sub3A_22, %div3A_25 : vector<156x512xf32>
    %mul3A = vector.broadcast %get3A_7 : vector<1x512xf32> to vector<156x512xf32>
    %mul3A_27 = arith.mulf %div3A_26, %mul3A : vector<156x512xf32>
    %add3A_28 = vector.broadcast %get3A_10 : vector<1x512xf32> to vector<156x512xf32>
    %add3A_29 = arith.addf %mul3A_27, %add3A_28 : vector<156x512xf32>
    %get3A_30 = arith.constant 0 : index
    %get3A_31 = arith.constant 0 : index
    %get3A_32 = vector.load %arg12[%get3A_30, %get3A_31] : memref<512x512xf32, #tpu.memory_space<vmem>>, vector<512x512xf32>
    %dot_general3A = arith.constant dense<0.000000e+00> : vector<156x512xf32>
    %dot_general3A_33 = tpu.matmul %add3A_29, %get3A_32, %dot_general3A {dimension_numbers = #tpu.dot_dimension_numbers<[1], [0], [0], [1], [0, 0, 1, 1], [], []>, transpose_lhs_hint = false} : vector<156x512xf32>, vector<512x512xf32>, vector<156x512xf32> -> vector<156x512xf32>
    %get3A_34 = arith.constant 0 : index
    %get3A_35 = arith.constant 0 : index
    %get3A_36 = vector.load %arg13[%get3A_34, %get3A_35] : memref<1x512xf32, #tpu.memory_space<vmem>>, vector<1x512xf32>
    %add3A_37 = vector.broadcast %get3A_36 : vector<1x512xf32> to vector<156x512xf32>
    %add3A_38 = arith.addf %dot_general3A_33, %add3A_37 : vector<156x512xf32>
    %get3A_39 = arith.constant 0 : index
    %get3A_40 = arith.constant 0 : index
    %get3A_41 = vector.load %arg14[%get3A_39, %get3A_40] : memref<1x512xf32, #tpu.memory_space<vmem>>, vector<1x512xf32>
    %get3A_42 = arith.constant 0 : index
    %get3A_43 = arith.constant 0 : index
    %get3A_44 = vector.load %arg15[%get3A_42, %get3A_43] : memref<1x512xf32, #tpu.memory_space<vmem>>, vector<1x512xf32>
    %reduce_sum3A_45 = arith.constant dense<0.000000e+00> : vector<39xf32>
    %reduce_sum3A_46 = vector.multi_reduction <add>, %get3A_1, %reduce_sum3A_45 [1] : vector<39x512xf32> to vector<39xf32>
    %broadcast_in_dim3A_47 = vector.shape_cast %reduce_sum3A_46 : vector<39xf32> to vector<39x1xf32>
    %div3A_48 = arith.constant 5.120000e+02 : f32
    %div3A_49 = vector.broadcast %div3A_48 : f32 to vector<39x1xf32>
    %div3A_50 = arith.divf %broadcast_in_dim3A_47, %div3A_49 : vector<39x1xf32>
    %sub3A_51 = vector.broadcast %div3A_50 : vector<39x1xf32> to vector<39x512xf32>
    %sub3A_52 = arith.subf %get3A_1, %sub3A_51 : vector<39x512xf32>
    %integer_pow3A_53 = arith.mulf %sub3A_52, %sub3A_52 : vector<39x512xf32>
    %reduce_sum3A_54 = arith.constant dense<0.000000e+00> : vector<39xf32>
    %reduce_sum3A_55 = vector.multi_reduction <add>, %integer_pow3A_53, %reduce_sum3A_54 [1] : vector<39x512xf32> to vector<39xf32>
    %broadcast_in_dim3A_56 = vector.shape_cast %reduce_sum3A_55 : vector<39xf32> to vector<39x1xf32>
    %div3A_57 = arith.constant 5.120000e+02 : f32
    %div3A_58 = vector.broadcast %div3A_57 : f32 to vector<39x1xf32>
    %div3A_59 = arith.divf %broadcast_in_dim3A_56, %div3A_58 : vector<39x1xf32>
    %sub3A_60 = vector.broadcast %div3A_50 : vector<39x1xf32> to vector<39x512xf32>
    %sub3A_61 = arith.subf %get3A_1, %sub3A_60 : vector<39x512xf32>
    %add3A_62 = arith.constant 9.99999974E-6 : f32
    %add3A_63 = vector.broadcast %add3A_62 : f32 to vector<39x1xf32>
    %add3A_64 = arith.addf %div3A_59, %add3A_63 : vector<39x1xf32>
    %sqrt3A_65 = math.sqrt %add3A_64 : vector<39x1xf32>
    %div3A_66 = vector.broadcast %sqrt3A_65 : vector<39x1xf32> to vector<39x512xf32>
    %div3A_67 = arith.divf %sub3A_61, %div3A_66 : vector<39x512xf32>
    %mul3A_68 = vector.broadcast %get3A_41 : vector<1x512xf32> to vector<39x512xf32>
    %mul3A_69 = arith.mulf %div3A_67, %mul3A_68 : vector<39x512xf32>
    %add3A_70 = vector.broadcast %get3A_44 : vector<1x512xf32> to vector<39x512xf32>
    %add3A_71 = arith.addf %mul3A_69, %add3A_70 : vector<39x512xf32>
    %get3A_72 = arith.constant 0 : index
    %get3A_73 = arith.constant 0 : index
    %get3A_74 = vector.load %arg16[%get3A_72, %get3A_73] : memref<512x512xf32, #tpu.memory_space<vmem>>, vector<512x512xf32>
    %dot_general3A_75 = arith.constant dense<0.000000e+00> : vector<39x512xf32>
    %dot_general3A_76 = tpu.matmul %add3A_71, %get3A_74, %dot_general3A_75 {dimension_numbers = #tpu.dot_dimension_numbers<[1], [0], [0], [1], [0, 0, 1, 1], [], []>, transpose_lhs_hint = false} : vector<39x512xf32>, vector<512x512xf32>, vector<39x512xf32> -> vector<39x512xf32>
    %get3A_77 = arith.constant 0 : index
    %get3A_78 = arith.constant 0 : index
    %get3A_79 = vector.load %arg17[%get3A_77, %get3A_78] : memref<1x512xf32, #tpu.memory_space<vmem>>, vector<1x512xf32>
    %add3A_80 = vector.broadcast %get3A_79 : vector<1x512xf32> to vector<39x512xf32>
    %add3A_81 = arith.addf %dot_general3A_76, %add3A_80 : vector<39x512xf32>
    %get3A_82 = arith.constant 0 : index
    %get3A_83 = arith.constant 0 : index
    %get3A_84 = vector.load %arg2[%get3A_82, %get3A_83] : memref<156x3xf32, #tpu.memory_space<vmem>>, vector<156x3xf32>
    %get3A_85 = arith.constant 0 : index
    %get3A_86 = arith.constant 0 : index
    %get3A_87 = vector.load %arg1[%get3A_85, %get3A_86] : memref<3x39xf32, #tpu.memory_space<vmem>>, vector<3x39xf32>
    %slice3A = vector.extract_strided_slice %get3A_84 {offsets = [0, 0], sizes = [156, 1], strides = [1, 1]} : vector<156x3xf32> to vector<156x1xf32>
    %slice3A_88 = vector.extract_strided_slice %get3A_87 {offsets = [0, 0], sizes = [1, 39], strides = [1, 1]} : vector<3x39xf32> to vector<1x39xf32>
    %sub3A_89 = vector.broadcast %slice3A : vector<156x1xf32> to vector<156x39xf32>
    %sub3A_90 = vector.broadcast %slice3A_88 : vector<1x39xf32> to vector<156x39xf32>
    %sub3A_91 = arith.subf %sub3A_89, %sub3A_90 : vector<156x39xf32>
    %mul3A_92 = arith.mulf %sub3A_91, %sub3A_91 : vector<156x39xf32>
    %slice3A_93 = vector.extract_strided_slice %get3A_84 {offsets = [0, 1], sizes = [156, 1], strides = [1, 1]} : vector<156x3xf32> to vector<156x1xf32>
    %slice3A_94 = vector.extract_strided_slice %get3A_87 {offsets = [1, 0], sizes = [1, 39], strides = [1, 1]} : vector<3x39xf32> to vector<1x39xf32>
    %sub3A_95 = vector.broadcast %slice3A_93 : vector<156x1xf32> to vector<156x39xf32>
    %sub3A_96 = vector.broadcast %slice3A_94 : vector<1x39xf32> to vector<156x39xf32>
    %sub3A_97 = arith.subf %sub3A_95, %sub3A_96 : vector<156x39xf32>
    %mul3A_98 = arith.mulf %sub3A_97, %sub3A_97 : vector<156x39xf32>
    %add3A_99 = arith.addf %mul3A_92, %mul3A_98 : vector<156x39xf32>
    %slice3A_100 = vector.extract_strided_slice %get3A_84 {offsets = [0, 2], sizes = [156, 1], strides = [1, 1]} : vector<156x3xf32> to vector<156x1xf32>
    %slice3A_101 = vector.extract_strided_slice %get3A_87 {offsets = [2, 0], sizes = [1, 39], strides = [1, 1]} : vector<3x39xf32> to vector<1x39xf32>
    %sub3A_102 = vector.broadcast %slice3A_100 : vector<156x1xf32> to vector<156x39xf32>
    %sub3A_103 = vector.broadcast %slice3A_101 : vector<1x39xf32> to vector<156x39xf32>
    %sub3A_104 = arith.subf %sub3A_102, %sub3A_103 : vector<156x39xf32>
    %mul3A_105 = arith.mulf %sub3A_104, %sub3A_104 : vector<156x39xf32>
    %add3A_106 = arith.addf %add3A_99, %mul3A_105 : vector<156x39xf32>
    %iota3A = tpu.iota {dimensions = array<i32: 1>} : vector<156x39xi32>
    %convert_element_type3A = arith.sitofp %iota3A : vector<156x39xi32> to vector<156x39xf32>
    %reduce_min3A = arith.constant dense<0x7F800000> : vector<156xf32>
    %reduce_min3A_107 = vector.multi_reduction <minimumf>, %add3A_106, %reduce_min3A [1] : vector<156x39xf32> to vector<156xf32>
    %broadcast_in_dim3A_108 = vector.shape_cast %reduce_min3A_107 : vector<156xf32> to vector<156x1xf32>
    %eq3A = vector.broadcast %broadcast_in_dim3A_108 : vector<156x1xf32> to vector<156x39xf32>
    %eq3A_109 = arith.cmpf oeq, %add3A_106, %eq3A : vector<156x39xf32>
    %jit3A = arith.constant 3.900000e+01 : f32
    %broadcast_in_dim3A_110 = vector.broadcast %jit3A : f32 to vector<156x39xf32>
    %select_n3A = arith.select %eq3A_109, %convert_element_type3A, %broadcast_in_dim3A_110 : vector<156x39xi1>, vector<156x39xf32>
    %reduce_min3A_111 = arith.constant dense<0x7F800000> : vector<156xf32>
    %reduce_min3A_112 = vector.multi_reduction <minimumf>, %select_n3A, %reduce_min3A_111 [1] : vector<156x39xf32> to vector<156xf32>
    %broadcast_in_dim3A_113 = vector.shape_cast %reduce_min3A_112 : vector<156xf32> to vector<156x1xf32>
    %max3A = arith.constant 1.000000e-10 : f32
    %max3A_114 = vector.broadcast %max3A : f32 to vector<156x1xf32>
    %max3A_115 = arith.maximumf %broadcast_in_dim3A_108, %max3A_114 : vector<156x1xf32>
    %sqrt3A_116 = math.sqrt %max3A_115 : vector<156x1xf32>
    %add3A_117 = arith.constant 9.99999993E-9 : f32
    %add3A_118 = vector.broadcast %add3A_117 : f32 to vector<156x1xf32>
    %add3A_119 = arith.addf %sqrt3A_116, %add3A_118 : vector<156x1xf32>
    %div3A_120 = arith.constant 1.000000e+00 : f32
    %div3A_121 = vector.broadcast %div3A_120 : f32 to vector<156x1xf32>
    %div3A_122 = arith.divf %div3A_121, %add3A_119 : vector<156x1xf32>
    %eq3A_123 = vector.broadcast %broadcast_in_dim3A_113 : vector<156x1xf32> to vector<156x39xf32>
    %eq3A_124 = arith.cmpf oeq, %convert_element_type3A, %eq3A_123 : vector<156x39xf32>
    %jit3A_125 = arith.constant 0x7F800000 : f32
    %broadcast_in_dim3A_126 = vector.broadcast %jit3A_125 : f32 to vector<156x39xf32>
    %select_n3A_127 = arith.select %eq3A_124, %broadcast_in_dim3A_126, %add3A_106 : vector<156x39xi1>, vector<156x39xf32>
    %reduce_min3A_128 = arith.constant dense<0x7F800000> : vector<156xf32>
    %reduce_min3A_129 = vector.multi_reduction <minimumf>, %select_n3A_127, %reduce_min3A_128 [1] : vector<156x39xf32> to vector<156xf32>
    %broadcast_in_dim3A_130 = vector.shape_cast %reduce_min3A_129 : vector<156xf32> to vector<156x1xf32>
    %eq3A_131 = vector.broadcast %broadcast_in_dim3A_130 : vector<156x1xf32> to vector<156x39xf32>
    %eq3A_132 = arith.cmpf oeq, %select_n3A_127, %eq3A_131 : vector<156x39xf32>
    %jit3A_133 = arith.constant 3.900000e+01 : f32
    %broadcast_in_dim3A_134 = vector.broadcast %jit3A_133 : f32 to vector<156x39xf32>
    %select_n3A_135 = arith.select %eq3A_132, %convert_element_type3A, %broadcast_in_dim3A_134 : vector<156x39xi1>, vector<156x39xf32>
    %reduce_min3A_136 = arith.constant dense<0x7F800000> : vector<156xf32>
    %reduce_min3A_137 = vector.multi_reduction <minimumf>, %select_n3A_135, %reduce_min3A_136 [1] : vector<156x39xf32> to vector<156xf32>
    %broadcast_in_dim3A_138 = vector.shape_cast %reduce_min3A_137 : vector<156xf32> to vector<156x1xf32>
    %max3A_139 = arith.constant 1.000000e-10 : f32
    %max3A_140 = vector.broadcast %max3A_139 : f32 to vector<156x1xf32>
    %max3A_141 = arith.maximumf %broadcast_in_dim3A_130, %max3A_140 : vector<156x1xf32>
    %sqrt3A_142 = math.sqrt %max3A_141 : vector<156x1xf32>
    %add3A_143 = arith.constant 9.99999993E-9 : f32
    %add3A_144 = vector.broadcast %add3A_143 : f32 to vector<156x1xf32>
    %add3A_145 = arith.addf %sqrt3A_142, %add3A_144 : vector<156x1xf32>
    %div3A_146 = arith.constant 1.000000e+00 : f32
    %div3A_147 = vector.broadcast %div3A_146 : f32 to vector<156x1xf32>
    %div3A_148 = arith.divf %div3A_147, %add3A_145 : vector<156x1xf32>
    %add3A_149 = arith.addf %div3A_122, %div3A_148 : vector<156x1xf32>
    %eq3A_150 = vector.broadcast %broadcast_in_dim3A_138 : vector<156x1xf32> to vector<156x39xf32>
    %eq3A_151 = arith.cmpf oeq, %convert_element_type3A, %eq3A_150 : vector<156x39xf32>
    %jit3A_152 = arith.constant 0x7F800000 : f32
    %broadcast_in_dim3A_153 = vector.broadcast %jit3A_152 : f32 to vector<156x39xf32>
    %select_n3A_154 = arith.select %eq3A_151, %broadcast_in_dim3A_153, %select_n3A_127 : vector<156x39xi1>, vector<156x39xf32>
    %reduce_min3A_155 = arith.constant dense<0x7F800000> : vector<156xf32>
    %reduce_min3A_156 = vector.multi_reduction <minimumf>, %select_n3A_154, %reduce_min3A_155 [1] : vector<156x39xf32> to vector<156xf32>
    %broadcast_in_dim3A_157 = vector.shape_cast %reduce_min3A_156 : vector<156xf32> to vector<156x1xf32>
    %eq3A_158 = vector.broadcast %broadcast_in_dim3A_157 : vector<156x1xf32> to vector<156x39xf32>
    %eq3A_159 = arith.cmpf oeq, %select_n3A_154, %eq3A_158 : vector<156x39xf32>
    %jit3A_160 = arith.constant 3.900000e+01 : f32
    %broadcast_in_dim3A_161 = vector.broadcast %jit3A_160 : f32 to vector<156x39xf32>
    %select_n3A_162 = arith.select %eq3A_159, %convert_element_type3A, %broadcast_in_dim3A_161 : vector<156x39xi1>, vector<156x39xf32>
    %reduce_min3A_163 = arith.constant dense<0x7F800000> : vector<156xf32>
    %reduce_min3A_164 = vector.multi_reduction <minimumf>, %select_n3A_162, %reduce_min3A_163 [1] : vector<156x39xf32> to vector<156xf32>
    %broadcast_in_dim3A_165 = vector.shape_cast %reduce_min3A_164 : vector<156xf32> to vector<156x1xf32>
    %max3A_166 = arith.constant 1.000000e-10 : f32
    %max3A_167 = vector.broadcast %max3A_166 : f32 to vector<156x1xf32>
    %max3A_168 = arith.maximumf %broadcast_in_dim3A_157, %max3A_167 : vector<156x1xf32>
    %sqrt3A_169 = math.sqrt %max3A_168 : vector<156x1xf32>
    %add3A_170 = arith.constant 9.99999993E-9 : f32
    %add3A_171 = vector.broadcast %add3A_170 : f32 to vector<156x1xf32>
    %add3A_172 = arith.addf %sqrt3A_169, %add3A_171 : vector<156x1xf32>
    %div3A_173 = arith.constant 1.000000e+00 : f32
    %div3A_174 = vector.broadcast %div3A_173 : f32 to vector<156x1xf32>
    %div3A_175 = arith.divf %div3A_174, %add3A_172 : vector<156x1xf32>
    %add3A_176 = arith.addf %add3A_149, %div3A_175 : vector<156x1xf32>
    %concatenate3A = tpu.concatenate %broadcast_in_dim3A_113, %broadcast_in_dim3A_138, %broadcast_in_dim3A_165 in 1 : vector<156x1xf32>, vector<156x1xf32>, vector<156x1xf32> -> vector<156x3xf32>
    %convert_element_type3A_177 = arith.fptosi %concatenate3A : vector<156x3xf32> to vector<156x3xi32>
    %div3A_178 = arith.divf %div3A_122, %add3A_176 : vector<156x1xf32>
    %div3A_179 = arith.divf %div3A_148, %add3A_176 : vector<156x1xf32>
    %div3A_180 = arith.divf %div3A_175, %add3A_176 : vector<156x1xf32>
    %concatenate3A_181 = tpu.concatenate %div3A_178, %div3A_179, %div3A_180 in 1 : vector<156x1xf32>, vector<156x1xf32>, vector<156x1xf32> -> vector<156x3xf32>
    %iota3A_182 = tpu.iota {dimensions = array<i32: 1>} : vector<156x39xi32>
    %broadcast_in_dim3A_183 = arith.constant 0.000000e+00 : f32
    %broadcast_in_dim3A_184 = vector.broadcast %broadcast_in_dim3A_183 : f32 to vector<156x39xf32>
    %slice3A_185 = vector.extract_strided_slice %convert_element_type3A_177 {offsets = [0, 0], sizes = [156, 1], strides = [1, 1]} : vector<156x3xi32> to vector<156x1xi32>
    %eq3A_186 = vector.broadcast %slice3A_185 : vector<156x1xi32> to vector<156x39xi32>
    %eq3A_187 = arith.cmpi eq, %iota3A_182, %eq3A_186 : vector<156x39xi32>
    %slice3A_188 = vector.extract_strided_slice %concatenate3A_181 {offsets = [0, 0], sizes = [156, 1], strides = [1, 1]} : vector<156x3xf32> to vector<156x1xf32>
    %jit3A_189 = arith.constant 0.000000e+00 : f32
    %broadcast_in_dim3A_190 = vector.shape_cast %slice3A_188 : vector<156x1xf32> to vector<156x1xf32>
    %broadcast_in_dim3A_191 = vector.broadcast %broadcast_in_dim3A_190 : vector<156x1xf32> to vector<156x39xf32>
    %broadcast_in_dim3A_192 = vector.broadcast %jit3A_189 : f32 to vector<156x39xf32>
    %select_n3A_193 = arith.select %eq3A_187, %broadcast_in_dim3A_191, %broadcast_in_dim3A_192 : vector<156x39xi1>, vector<156x39xf32>
    %add3A_194 = arith.addf %broadcast_in_dim3A_184, %select_n3A_193 : vector<156x39xf32>
    %slice3A_195 = vector.extract_strided_slice %convert_element_type3A_177 {offsets = [0, 1], sizes = [156, 1], strides = [1, 1]} : vector<156x3xi32> to vector<156x1xi32>
    %eq3A_196 = vector.broadcast %slice3A_195 : vector<156x1xi32> to vector<156x39xi32>
    %eq3A_197 = arith.cmpi eq, %iota3A_182, %eq3A_196 : vector<156x39xi32>
    %slice3A_198 = vector.extract_strided_slice %concatenate3A_181 {offsets = [0, 1], sizes = [156, 1], strides = [1, 1]} : vector<156x3xf32> to vector<156x1xf32>
    %jit3A_199 = arith.constant 0.000000e+00 : f32
    %broadcast_in_dim3A_200 = vector.shape_cast %slice3A_198 : vector<156x1xf32> to vector<156x1xf32>
    %broadcast_in_dim3A_201 = vector.broadcast %broadcast_in_dim3A_200 : vector<156x1xf32> to vector<156x39xf32>
    %broadcast_in_dim3A_202 = vector.broadcast %jit3A_199 : f32 to vector<156x39xf32>
    %select_n3A_203 = arith.select %eq3A_197, %broadcast_in_dim3A_201, %broadcast_in_dim3A_202 : vector<156x39xi1>, vector<156x39xf32>
    %add3A_204 = arith.addf %add3A_194, %select_n3A_203 : vector<156x39xf32>
    %slice3A_205 = vector.extract_strided_slice %convert_element_type3A_177 {offsets = [0, 2], sizes = [156, 1], strides = [1, 1]} : vector<156x3xi32> to vector<156x1xi32>
    %eq3A_206 = vector.broadcast %slice3A_205 : vector<156x1xi32> to vector<156x39xi32>
    %eq3A_207 = arith.cmpi eq, %iota3A_182, %eq3A_206 : vector<156x39xi32>
    %slice3A_208 = vector.extract_strided_slice %concatenate3A_181 {offsets = [0, 2], sizes = [156, 1], strides = [1, 1]} : vector<156x3xf32> to vector<156x1xf32>
    %jit3A_209 = arith.constant 0.000000e+00 : f32
    %broadcast_in_dim3A_210 = vector.shape_cast %slice3A_208 : vector<156x1xf32> to vector<156x1xf32>
    %broadcast_in_dim3A_211 = vector.broadcast %broadcast_in_dim3A_210 : vector<156x1xf32> to vector<156x39xf32>
    %broadcast_in_dim3A_212 = vector.broadcast %jit3A_209 : f32 to vector<156x39xf32>
    %select_n3A_213 = arith.select %eq3A_207, %broadcast_in_dim3A_211, %broadcast_in_dim3A_212 : vector<156x39xi1>, vector<156x39xf32>
    %add3A_214 = arith.addf %add3A_204, %select_n3A_213 : vector<156x39xf32>
    %dot_general3A_215 = arith.constant dense<0.000000e+00> : vector<156x512xf32>
    %dot_general3A_216 = tpu.matmul %add3A_214, %add3A_81, %dot_general3A_215 {dimension_numbers = #tpu.dot_dimension_numbers<[1], [0], [0], [1], [0, 0, 1, 1], [], []>, transpose_lhs_hint = false} : vector<156x39xf32>, vector<39x512xf32>, vector<156x512xf32> -> vector<156x512xf32>
    %add3A_217 = arith.addf %add3A_38, %dot_general3A_216 : vector<156x512xf32>
    %get3A_218 = arith.constant 0 : index
    %get3A_219 = arith.constant 0 : index
    %get3A_220 = vector.load %arg6[%get3A_218, %get3A_219] : memref<625x512xf32, #tpu.memory_space<vmem>>, vector<625x512xf32>
    %get3A_221 = arith.constant 0 : index
    %get3A_222 = arith.constant 0 : index
    %get3A_223 = vector.load %arg18[%get3A_221, %get3A_222] : memref<1x512xf32, #tpu.memory_space<vmem>>, vector<1x512xf32>
    %get3A_224 = arith.constant 0 : index
    %get3A_225 = arith.constant 0 : index
    %get3A_226 = vector.load %arg19[%get3A_224, %get3A_225] : memref<1x512xf32, #tpu.memory_space<vmem>>, vector<1x512xf32>
    %reduce_sum3A_227 = arith.constant dense<0.000000e+00> : vector<625xf32>
    %reduce_sum3A_228 = vector.multi_reduction <add>, %get3A_220, %reduce_sum3A_227 [1] : vector<625x512xf32> to vector<625xf32>
    %broadcast_in_dim3A_229 = vector.shape_cast %reduce_sum3A_228 : vector<625xf32> to vector<625x1xf32>
    %div3A_230 = arith.constant 5.120000e+02 : f32
    %div3A_231 = vector.broadcast %div3A_230 : f32 to vector<625x1xf32>
    %div3A_232 = arith.divf %broadcast_in_dim3A_229, %div3A_231 : vector<625x1xf32>
    %sub3A_233 = vector.broadcast %div3A_232 : vector<625x1xf32> to vector<625x512xf32>
    %sub3A_234 = arith.subf %get3A_220, %sub3A_233 : vector<625x512xf32>
    %integer_pow3A_235 = arith.mulf %sub3A_234, %sub3A_234 : vector<625x512xf32>
    %reduce_sum3A_236 = arith.constant dense<0.000000e+00> : vector<625xf32>
    %reduce_sum3A_237 = vector.multi_reduction <add>, %integer_pow3A_235, %reduce_sum3A_236 [1] : vector<625x512xf32> to vector<625xf32>
    %broadcast_in_dim3A_238 = vector.shape_cast %reduce_sum3A_237 : vector<625xf32> to vector<625x1xf32>
    %div3A_239 = arith.constant 5.120000e+02 : f32
    %div3A_240 = vector.broadcast %div3A_239 : f32 to vector<625x1xf32>
    %div3A_241 = arith.divf %broadcast_in_dim3A_238, %div3A_240 : vector<625x1xf32>
    %sub3A_242 = vector.broadcast %div3A_232 : vector<625x1xf32> to vector<625x512xf32>
    %sub3A_243 = arith.subf %get3A_220, %sub3A_242 : vector<625x512xf32>
    %add3A_244 = arith.constant 9.99999974E-6 : f32
    %add3A_245 = vector.broadcast %add3A_244 : f32 to vector<625x1xf32>
    %add3A_246 = arith.addf %div3A_241, %add3A_245 : vector<625x1xf32>
    %sqrt3A_247 = math.sqrt %add3A_246 : vector<625x1xf32>
    %div3A_248 = vector.broadcast %sqrt3A_247 : vector<625x1xf32> to vector<625x512xf32>
    %div3A_249 = arith.divf %sub3A_243, %div3A_248 : vector<625x512xf32>
    %mul3A_250 = vector.broadcast %get3A_223 : vector<1x512xf32> to vector<625x512xf32>
    %mul3A_251 = arith.mulf %div3A_249, %mul3A_250 : vector<625x512xf32>
    %add3A_252 = vector.broadcast %get3A_226 : vector<1x512xf32> to vector<625x512xf32>
    %add3A_253 = arith.addf %mul3A_251, %add3A_252 : vector<625x512xf32>
    %get3A_254 = arith.constant 0 : index
    %get3A_255 = arith.constant 0 : index
    %get3A_256 = vector.load %arg20[%get3A_254, %get3A_255] : memref<512x512xf32, #tpu.memory_space<vmem>>, vector<512x512xf32>
    %dot_general3A_257 = arith.constant dense<0.000000e+00> : vector<625x512xf32>
    %dot_general3A_258 = tpu.matmul %add3A_253, %get3A_256, %dot_general3A_257 {dimension_numbers = #tpu.dot_dimension_numbers<[1], [0], [0], [1], [0, 0, 1, 1], [], []>, transpose_lhs_hint = false} : vector<625x512xf32>, vector<512x512xf32>, vector<625x512xf32> -> vector<625x512xf32>
    %get3A_259 = arith.constant 0 : index
    %get3A_260 = arith.constant 0 : index
    %get3A_261 = vector.load %arg21[%get3A_259, %get3A_260] : memref<1x512xf32, #tpu.memory_space<vmem>>, vector<1x512xf32>
    %add3A_262 = vector.broadcast %get3A_261 : vector<1x512xf32> to vector<625x512xf32>
    %add3A_263 = arith.addf %dot_general3A_258, %add3A_262 : vector<625x512xf32>
    %get3A_264 = arith.constant 0 : index
    %get3A_265 = arith.constant 0 : index
    %get3A_266 = vector.load %arg22[%get3A_264, %get3A_265] : memref<1x512xf32, #tpu.memory_space<vmem>>, vector<1x512xf32>
    %get3A_267 = arith.constant 0 : index
    %get3A_268 = arith.constant 0 : index
    %get3A_269 = vector.load %arg23[%get3A_267, %get3A_268] : memref<1x512xf32, #tpu.memory_space<vmem>>, vector<1x512xf32>
    %reduce_sum3A_270 = arith.constant dense<0.000000e+00> : vector<156xf32>
    %reduce_sum3A_271 = vector.multi_reduction <add>, %add3A_217, %reduce_sum3A_270 [1] : vector<156x512xf32> to vector<156xf32>
    %broadcast_in_dim3A_272 = vector.shape_cast %reduce_sum3A_271 : vector<156xf32> to vector<156x1xf32>
    %div3A_273 = arith.constant 5.120000e+02 : f32
    %div3A_274 = vector.broadcast %div3A_273 : f32 to vector<156x1xf32>
    %div3A_275 = arith.divf %broadcast_in_dim3A_272, %div3A_274 : vector<156x1xf32>
    %sub3A_276 = vector.broadcast %div3A_275 : vector<156x1xf32> to vector<156x512xf32>
    %sub3A_277 = arith.subf %add3A_217, %sub3A_276 : vector<156x512xf32>
    %integer_pow3A_278 = arith.mulf %sub3A_277, %sub3A_277 : vector<156x512xf32>
    %reduce_sum3A_279 = arith.constant dense<0.000000e+00> : vector<156xf32>
    %reduce_sum3A_280 = vector.multi_reduction <add>, %integer_pow3A_278, %reduce_sum3A_279 [1] : vector<156x512xf32> to vector<156xf32>
    %broadcast_in_dim3A_281 = vector.shape_cast %reduce_sum3A_280 : vector<156xf32> to vector<156x1xf32>
    %div3A_282 = arith.constant 5.120000e+02 : f32
    %div3A_283 = vector.broadcast %div3A_282 : f32 to vector<156x1xf32>
    %div3A_284 = arith.divf %broadcast_in_dim3A_281, %div3A_283 : vector<156x1xf32>
    %sub3A_285 = vector.broadcast %div3A_275 : vector<156x1xf32> to vector<156x512xf32>
    %sub3A_286 = arith.subf %add3A_217, %sub3A_285 : vector<156x512xf32>
    %add3A_287 = arith.constant 9.99999974E-6 : f32
    %add3A_288 = vector.broadcast %add3A_287 : f32 to vector<156x1xf32>
    %add3A_289 = arith.addf %div3A_284, %add3A_288 : vector<156x1xf32>
    %sqrt3A_290 = math.sqrt %add3A_289 : vector<156x1xf32>
    %div3A_291 = vector.broadcast %sqrt3A_290 : vector<156x1xf32> to vector<156x512xf32>
    %div3A_292 = arith.divf %sub3A_286, %div3A_291 : vector<156x512xf32>
    %mul3A_293 = vector.broadcast %get3A_266 : vector<1x512xf32> to vector<156x512xf32>
    %mul3A_294 = arith.mulf %div3A_292, %mul3A_293 : vector<156x512xf32>
    %add3A_295 = vector.broadcast %get3A_269 : vector<1x512xf32> to vector<156x512xf32>
    %add3A_296 = arith.addf %mul3A_294, %add3A_295 : vector<156x512xf32>
    %get3A_297 = arith.constant 0 : index
    %get3A_298 = arith.constant 0 : index
    %get3A_299 = vector.load %arg24[%get3A_297, %get3A_298] : memref<512x512xf32, #tpu.memory_space<vmem>>, vector<512x512xf32>
    %dot_general3A_300 = arith.constant dense<0.000000e+00> : vector<156x512xf32>
    %dot_general3A_301 = tpu.matmul %add3A_296, %get3A_299, %dot_general3A_300 {dimension_numbers = #tpu.dot_dimension_numbers<[1], [0], [0], [1], [0, 0, 1, 1], [], []>, transpose_lhs_hint = false} : vector<156x512xf32>, vector<512x512xf32>, vector<156x512xf32> -> vector<156x512xf32>
    %get3A_302 = arith.constant 0 : index
    %get3A_303 = arith.constant 0 : index
    %get3A_304 = vector.load %arg25[%get3A_302, %get3A_303] : memref<1x512xf32, #tpu.memory_space<vmem>>, vector<1x512xf32>
    %add3A_305 = vector.broadcast %get3A_304 : vector<1x512xf32> to vector<156x512xf32>
    %add3A_306 = arith.addf %dot_general3A_301, %add3A_305 : vector<156x512xf32>
    %get3A_307 = arith.constant 0 : index
    %get3A_308 = arith.constant 0 : index
    %get3A_309 = vector.load %arg5[%get3A_307, %get3A_308] : memref<625x3xf32, #tpu.memory_space<vmem>>, vector<625x3xf32>
    %get3A_310 = arith.constant 0 : index
    %get3A_311 = arith.constant 0 : index
    %get3A_312 = vector.load %arg4[%get3A_310, %get3A_311] : memref<3x156xf32, #tpu.memory_space<vmem>>, vector<3x156xf32>
    %slice3A_313 = vector.extract_strided_slice %get3A_309 {offsets = [0, 0], sizes = [625, 1], strides = [1, 1]} : vector<625x3xf32> to vector<625x1xf32>
    %slice3A_314 = vector.extract_strided_slice %get3A_312 {offsets = [0, 0], sizes = [1, 156], strides = [1, 1]} : vector<3x156xf32> to vector<1x156xf32>
    %sub3A_315 = vector.broadcast %slice3A_313 : vector<625x1xf32> to vector<625x156xf32>
    %sub3A_316 = vector.broadcast %slice3A_314 : vector<1x156xf32> to vector<625x156xf32>
    %sub3A_317 = arith.subf %sub3A_315, %sub3A_316 : vector<625x156xf32>
    %mul3A_318 = arith.mulf %sub3A_317, %sub3A_317 : vector<625x156xf32>
    %slice3A_319 = vector.extract_strided_slice %get3A_309 {offsets = [0, 1], sizes = [625, 1], strides = [1, 1]} : vector<625x3xf32> to vector<625x1xf32>
    %slice3A_320 = vector.extract_strided_slice %get3A_312 {offsets = [1, 0], sizes = [1, 156], strides = [1, 1]} : vector<3x156xf32> to vector<1x156xf32>
    %sub3A_321 = vector.broadcast %slice3A_319 : vector<625x1xf32> to vector<625x156xf32>
    %sub3A_322 = vector.broadcast %slice3A_320 : vector<1x156xf32> to vector<625x156xf32>
    %sub3A_323 = arith.subf %sub3A_321, %sub3A_322 : vector<625x156xf32>
    %mul3A_324 = arith.mulf %sub3A_323, %sub3A_323 : vector<625x156xf32>
    %add3A_325 = arith.addf %mul3A_318, %mul3A_324 : vector<625x156xf32>
    %slice3A_326 = vector.extract_strided_slice %get3A_309 {offsets = [0, 2], sizes = [625, 1], strides = [1, 1]} : vector<625x3xf32> to vector<625x1xf32>
    %slice3A_327 = vector.extract_strided_slice %get3A_312 {offsets = [2, 0], sizes = [1, 156], strides = [1, 1]} : vector<3x156xf32> to vector<1x156xf32>
    %sub3A_328 = vector.broadcast %slice3A_326 : vector<625x1xf32> to vector<625x156xf32>
    %sub3A_329 = vector.broadcast %slice3A_327 : vector<1x156xf32> to vector<625x156xf32>
    %sub3A_330 = arith.subf %sub3A_328, %sub3A_329 : vector<625x156xf32>
    %mul3A_331 = arith.mulf %sub3A_330, %sub3A_330 : vector<625x156xf32>
    %add3A_332 = arith.addf %add3A_325, %mul3A_331 : vector<625x156xf32>
    %iota3A_333 = tpu.iota {dimensions = array<i32: 1>} : vector<625x156xi32>
    %convert_element_type3A_334 = arith.sitofp %iota3A_333 : vector<625x156xi32> to vector<625x156xf32>
    %reduce_min3A_335 = arith.constant dense<0x7F800000> : vector<625xf32>
    %reduce_min3A_336 = vector.multi_reduction <minimumf>, %add3A_332, %reduce_min3A_335 [1] : vector<625x156xf32> to vector<625xf32>
    %broadcast_in_dim3A_337 = vector.shape_cast %reduce_min3A_336 : vector<625xf32> to vector<625x1xf32>
    %eq3A_338 = vector.broadcast %broadcast_in_dim3A_337 : vector<625x1xf32> to vector<625x156xf32>
    %eq3A_339 = arith.cmpf oeq, %add3A_332, %eq3A_338 : vector<625x156xf32>
    %jit3A_340 = arith.constant 1.560000e+02 : f32
    %broadcast_in_dim3A_341 = vector.broadcast %jit3A_340 : f32 to vector<625x156xf32>
    %select_n3A_342 = arith.select %eq3A_339, %convert_element_type3A_334, %broadcast_in_dim3A_341 : vector<625x156xi1>, vector<625x156xf32>
    %reduce_min3A_343 = arith.constant dense<0x7F800000> : vector<625xf32>
    %reduce_min3A_344 = vector.multi_reduction <minimumf>, %select_n3A_342, %reduce_min3A_343 [1] : vector<625x156xf32> to vector<625xf32>
    %broadcast_in_dim3A_345 = vector.shape_cast %reduce_min3A_344 : vector<625xf32> to vector<625x1xf32>
    %max3A_346 = arith.constant 1.000000e-10 : f32
    %max3A_347 = vector.broadcast %max3A_346 : f32 to vector<625x1xf32>
    %max3A_348 = arith.maximumf %broadcast_in_dim3A_337, %max3A_347 : vector<625x1xf32>
    %sqrt3A_349 = math.sqrt %max3A_348 : vector<625x1xf32>
    %add3A_350 = arith.constant 9.99999993E-9 : f32
    %add3A_351 = vector.broadcast %add3A_350 : f32 to vector<625x1xf32>
    %add3A_352 = arith.addf %sqrt3A_349, %add3A_351 : vector<625x1xf32>
    %div3A_353 = arith.constant 1.000000e+00 : f32
    %div3A_354 = vector.broadcast %div3A_353 : f32 to vector<625x1xf32>
    %div3A_355 = arith.divf %div3A_354, %add3A_352 : vector<625x1xf32>
    %eq3A_356 = vector.broadcast %broadcast_in_dim3A_345 : vector<625x1xf32> to vector<625x156xf32>
    %eq3A_357 = arith.cmpf oeq, %convert_element_type3A_334, %eq3A_356 : vector<625x156xf32>
    %jit3A_358 = arith.constant 0x7F800000 : f32
    %broadcast_in_dim3A_359 = vector.broadcast %jit3A_358 : f32 to vector<625x156xf32>
    %select_n3A_360 = arith.select %eq3A_357, %broadcast_in_dim3A_359, %add3A_332 : vector<625x156xi1>, vector<625x156xf32>
    %reduce_min3A_361 = arith.constant dense<0x7F800000> : vector<625xf32>
    %reduce_min3A_362 = vector.multi_reduction <minimumf>, %select_n3A_360, %reduce_min3A_361 [1] : vector<625x156xf32> to vector<625xf32>
    %broadcast_in_dim3A_363 = vector.shape_cast %reduce_min3A_362 : vector<625xf32> to vector<625x1xf32>
    %eq3A_364 = vector.broadcast %broadcast_in_dim3A_363 : vector<625x1xf32> to vector<625x156xf32>
    %eq3A_365 = arith.cmpf oeq, %select_n3A_360, %eq3A_364 : vector<625x156xf32>
    %jit3A_366 = arith.constant 1.560000e+02 : f32
    %broadcast_in_dim3A_367 = vector.broadcast %jit3A_366 : f32 to vector<625x156xf32>
    %select_n3A_368 = arith.select %eq3A_365, %convert_element_type3A_334, %broadcast_in_dim3A_367 : vector<625x156xi1>, vector<625x156xf32>
    %reduce_min3A_369 = arith.constant dense<0x7F800000> : vector<625xf32>
    %reduce_min3A_370 = vector.multi_reduction <minimumf>, %select_n3A_368, %reduce_min3A_369 [1] : vector<625x156xf32> to vector<625xf32>
    %broadcast_in_dim3A_371 = vector.shape_cast %reduce_min3A_370 : vector<625xf32> to vector<625x1xf32>
    %max3A_372 = arith.constant 1.000000e-10 : f32
    %max3A_373 = vector.broadcast %max3A_372 : f32 to vector<625x1xf32>
    %max3A_374 = arith.maximumf %broadcast_in_dim3A_363, %max3A_373 : vector<625x1xf32>
    %sqrt3A_375 = math.sqrt %max3A_374 : vector<625x1xf32>
    %add3A_376 = arith.constant 9.99999993E-9 : f32
    %add3A_377 = vector.broadcast %add3A_376 : f32 to vector<625x1xf32>
    %add3A_378 = arith.addf %sqrt3A_375, %add3A_377 : vector<625x1xf32>
    %div3A_379 = arith.constant 1.000000e+00 : f32
    %div3A_380 = vector.broadcast %div3A_379 : f32 to vector<625x1xf32>
    %div3A_381 = arith.divf %div3A_380, %add3A_378 : vector<625x1xf32>
    %add3A_382 = arith.addf %div3A_355, %div3A_381 : vector<625x1xf32>
    %eq3A_383 = vector.broadcast %broadcast_in_dim3A_371 : vector<625x1xf32> to vector<625x156xf32>
    %eq3A_384 = arith.cmpf oeq, %convert_element_type3A_334, %eq3A_383 : vector<625x156xf32>
    %jit3A_385 = arith.constant 0x7F800000 : f32
    %broadcast_in_dim3A_386 = vector.broadcast %jit3A_385 : f32 to vector<625x156xf32>
    %select_n3A_387 = arith.select %eq3A_384, %broadcast_in_dim3A_386, %select_n3A_360 : vector<625x156xi1>, vector<625x156xf32>
    %reduce_min3A_388 = arith.constant dense<0x7F800000> : vector<625xf32>
    %reduce_min3A_389 = vector.multi_reduction <minimumf>, %select_n3A_387, %reduce_min3A_388 [1] : vector<625x156xf32> to vector<625xf32>
    %broadcast_in_dim3A_390 = vector.shape_cast %reduce_min3A_389 : vector<625xf32> to vector<625x1xf32>
    %eq3A_391 = vector.broadcast %broadcast_in_dim3A_390 : vector<625x1xf32> to vector<625x156xf32>
    %eq3A_392 = arith.cmpf oeq, %select_n3A_387, %eq3A_391 : vector<625x156xf32>
    %jit3A_393 = arith.constant 1.560000e+02 : f32
    %broadcast_in_dim3A_394 = vector.broadcast %jit3A_393 : f32 to vector<625x156xf32>
    %select_n3A_395 = arith.select %eq3A_392, %convert_element_type3A_334, %broadcast_in_dim3A_394 : vector<625x156xi1>, vector<625x156xf32>
    %reduce_min3A_396 = arith.constant dense<0x7F800000> : vector<625xf32>
    %reduce_min3A_397 = vector.multi_reduction <minimumf>, %select_n3A_395, %reduce_min3A_396 [1] : vector<625x156xf32> to vector<625xf32>
    %broadcast_in_dim3A_398 = vector.shape_cast %reduce_min3A_397 : vector<625xf32> to vector<625x1xf32>
    %max3A_399 = arith.constant 1.000000e-10 : f32
    %max3A_400 = vector.broadcast %max3A_399 : f32 to vector<625x1xf32>
    %max3A_401 = arith.maximumf %broadcast_in_dim3A_390, %max3A_400 : vector<625x1xf32>
    %sqrt3A_402 = math.sqrt %max3A_401 : vector<625x1xf32>
    %add3A_403 = arith.constant 9.99999993E-9 : f32
    %add3A_404 = vector.broadcast %add3A_403 : f32 to vector<625x1xf32>
    %add3A_405 = arith.addf %sqrt3A_402, %add3A_404 : vector<625x1xf32>
    %div3A_406 = arith.constant 1.000000e+00 : f32
    %div3A_407 = vector.broadcast %div3A_406 : f32 to vector<625x1xf32>
    %div3A_408 = arith.divf %div3A_407, %add3A_405 : vector<625x1xf32>
    %add3A_409 = arith.addf %add3A_382, %div3A_408 : vector<625x1xf32>
    %concatenate3A_410 = tpu.concatenate %broadcast_in_dim3A_345, %broadcast_in_dim3A_371, %broadcast_in_dim3A_398 in 1 : vector<625x1xf32>, vector<625x1xf32>, vector<625x1xf32> -> vector<625x3xf32>
    %convert_element_type3A_411 = arith.fptosi %concatenate3A_410 : vector<625x3xf32> to vector<625x3xi32>
    %div3A_412 = arith.divf %div3A_355, %add3A_409 : vector<625x1xf32>
    %div3A_413 = arith.divf %div3A_381, %add3A_409 : vector<625x1xf32>
    %div3A_414 = arith.divf %div3A_408, %add3A_409 : vector<625x1xf32>
    %concatenate3A_415 = tpu.concatenate %div3A_412, %div3A_413, %div3A_414 in 1 : vector<625x1xf32>, vector<625x1xf32>, vector<625x1xf32> -> vector<625x3xf32>
    %iota3A_416 = tpu.iota {dimensions = array<i32: 1>} : vector<625x156xi32>
    %broadcast_in_dim3A_417 = arith.constant 0.000000e+00 : f32
    %broadcast_in_dim3A_418 = vector.broadcast %broadcast_in_dim3A_417 : f32 to vector<625x156xf32>
    %slice3A_419 = vector.extract_strided_slice %convert_element_type3A_411 {offsets = [0, 0], sizes = [625, 1], strides = [1, 1]} : vector<625x3xi32> to vector<625x1xi32>
    %eq3A_420 = vector.broadcast %slice3A_419 : vector<625x1xi32> to vector<625x156xi32>
    %eq3A_421 = arith.cmpi eq, %iota3A_416, %eq3A_420 : vector<625x156xi32>
    %slice3A_422 = vector.extract_strided_slice %concatenate3A_415 {offsets = [0, 0], sizes = [625, 1], strides = [1, 1]} : vector<625x3xf32> to vector<625x1xf32>
    %jit3A_423 = arith.constant 0.000000e+00 : f32
    %broadcast_in_dim3A_424 = vector.shape_cast %slice3A_422 : vector<625x1xf32> to vector<625x1xf32>
    %broadcast_in_dim3A_425 = vector.broadcast %broadcast_in_dim3A_424 : vector<625x1xf32> to vector<625x156xf32>
    %broadcast_in_dim3A_426 = vector.broadcast %jit3A_423 : f32 to vector<625x156xf32>
    %select_n3A_427 = arith.select %eq3A_421, %broadcast_in_dim3A_425, %broadcast_in_dim3A_426 : vector<625x156xi1>, vector<625x156xf32>
    %add3A_428 = arith.addf %broadcast_in_dim3A_418, %select_n3A_427 : vector<625x156xf32>
    %slice3A_429 = vector.extract_strided_slice %convert_element_type3A_411 {offsets = [0, 1], sizes = [625, 1], strides = [1, 1]} : vector<625x3xi32> to vector<625x1xi32>
    %eq3A_430 = vector.broadcast %slice3A_429 : vector<625x1xi32> to vector<625x156xi32>
    %eq3A_431 = arith.cmpi eq, %iota3A_416, %eq3A_430 : vector<625x156xi32>
    %slice3A_432 = vector.extract_strided_slice %concatenate3A_415 {offsets = [0, 1], sizes = [625, 1], strides = [1, 1]} : vector<625x3xf32> to vector<625x1xf32>
    %jit3A_433 = arith.constant 0.000000e+00 : f32
    %broadcast_in_dim3A_434 = vector.shape_cast %slice3A_432 : vector<625x1xf32> to vector<625x1xf32>
    %broadcast_in_dim3A_435 = vector.broadcast %broadcast_in_dim3A_434 : vector<625x1xf32> to vector<625x156xf32>
    %broadcast_in_dim3A_436 = vector.broadcast %jit3A_433 : f32 to vector<625x156xf32>
    %select_n3A_437 = arith.select %eq3A_431, %broadcast_in_dim3A_435, %broadcast_in_dim3A_436 : vector<625x156xi1>, vector<625x156xf32>
    %add3A_438 = arith.addf %add3A_428, %select_n3A_437 : vector<625x156xf32>
    %slice3A_439 = vector.extract_strided_slice %convert_element_type3A_411 {offsets = [0, 2], sizes = [625, 1], strides = [1, 1]} : vector<625x3xi32> to vector<625x1xi32>
    %eq3A_440 = vector.broadcast %slice3A_439 : vector<625x1xi32> to vector<625x156xi32>
    %eq3A_441 = arith.cmpi eq, %iota3A_416, %eq3A_440 : vector<625x156xi32>
    %slice3A_442 = vector.extract_strided_slice %concatenate3A_415 {offsets = [0, 2], sizes = [625, 1], strides = [1, 1]} : vector<625x3xf32> to vector<625x1xf32>
    %jit3A_443 = arith.constant 0.000000e+00 : f32
    %broadcast_in_dim3A_444 = vector.shape_cast %slice3A_442 : vector<625x1xf32> to vector<625x1xf32>
    %broadcast_in_dim3A_445 = vector.broadcast %broadcast_in_dim3A_444 : vector<625x1xf32> to vector<625x156xf32>
    %broadcast_in_dim3A_446 = vector.broadcast %jit3A_443 : f32 to vector<625x156xf32>
    %select_n3A_447 = arith.select %eq3A_441, %broadcast_in_dim3A_445, %broadcast_in_dim3A_446 : vector<625x156xi1>, vector<625x156xf32>
    %add3A_448 = arith.addf %add3A_438, %select_n3A_447 : vector<625x156xf32>
    %dot_general3A_449 = arith.constant dense<0.000000e+00> : vector<625x512xf32>
    %dot_general3A_450 = tpu.matmul %add3A_448, %add3A_306, %dot_general3A_449 {dimension_numbers = #tpu.dot_dimension_numbers<[1], [0], [0], [1], [0, 0, 1, 1], [], []>, transpose_lhs_hint = false} : vector<625x156xf32>, vector<156x512xf32>, vector<625x512xf32> -> vector<625x512xf32>
    %add3A_451 = arith.addf %add3A_263, %dot_general3A_450 : vector<625x512xf32>
    %get3A_452 = arith.constant 0 : index
    %get3A_453 = arith.constant 0 : index
    %get3A_454 = vector.load %arg9[%get3A_452, %get3A_453] : memref<2500x256xf32, #tpu.memory_space<vmem>>, vector<2500x256xf32>
    %get3A_455 = arith.constant 0 : index
    %get3A_456 = arith.constant 0 : index
    %get3A_457 = vector.load %arg26[%get3A_455, %get3A_456] : memref<1x256xf32, #tpu.memory_space<vmem>>, vector<1x256xf32>
    %get3A_458 = arith.constant 0 : index
    %get3A_459 = arith.constant 0 : index
    %get3A_460 = vector.load %arg27[%get3A_458, %get3A_459] : memref<1x256xf32, #tpu.memory_space<vmem>>, vector<1x256xf32>
    %reduce_sum3A_461 = arith.constant dense<0.000000e+00> : vector<2500xf32>
    %reduce_sum3A_462 = vector.multi_reduction <add>, %get3A_454, %reduce_sum3A_461 [1] : vector<2500x256xf32> to vector<2500xf32>
    %broadcast_in_dim3A_463 = vector.shape_cast %reduce_sum3A_462 : vector<2500xf32> to vector<2500x1xf32>
    %div3A_464 = arith.constant 2.560000e+02 : f32
    %div3A_465 = vector.broadcast %div3A_464 : f32 to vector<2500x1xf32>
    %div3A_466 = arith.divf %broadcast_in_dim3A_463, %div3A_465 : vector<2500x1xf32>
    %sub3A_467 = vector.broadcast %div3A_466 : vector<2500x1xf32> to vector<2500x256xf32>
    %sub3A_468 = arith.subf %get3A_454, %sub3A_467 : vector<2500x256xf32>
    %integer_pow3A_469 = arith.mulf %sub3A_468, %sub3A_468 : vector<2500x256xf32>
    %reduce_sum3A_470 = arith.constant dense<0.000000e+00> : vector<2500xf32>
    %reduce_sum3A_471 = vector.multi_reduction <add>, %integer_pow3A_469, %reduce_sum3A_470 [1] : vector<2500x256xf32> to vector<2500xf32>
    %broadcast_in_dim3A_472 = vector.shape_cast %reduce_sum3A_471 : vector<2500xf32> to vector<2500x1xf32>
    %div3A_473 = arith.constant 2.560000e+02 : f32
    %div3A_474 = vector.broadcast %div3A_473 : f32 to vector<2500x1xf32>
    %div3A_475 = arith.divf %broadcast_in_dim3A_472, %div3A_474 : vector<2500x1xf32>
    %sub3A_476 = vector.broadcast %div3A_466 : vector<2500x1xf32> to vector<2500x256xf32>
    %sub3A_477 = arith.subf %get3A_454, %sub3A_476 : vector<2500x256xf32>
    %add3A_478 = arith.constant 9.99999974E-6 : f32
    %add3A_479 = vector.broadcast %add3A_478 : f32 to vector<2500x1xf32>
    %add3A_480 = arith.addf %div3A_475, %add3A_479 : vector<2500x1xf32>
    %sqrt3A_481 = math.sqrt %add3A_480 : vector<2500x1xf32>
    %div3A_482 = vector.broadcast %sqrt3A_481 : vector<2500x1xf32> to vector<2500x256xf32>
    %div3A_483 = arith.divf %sub3A_477, %div3A_482 : vector<2500x256xf32>
    %mul3A_484 = vector.broadcast %get3A_457 : vector<1x256xf32> to vector<2500x256xf32>
    %mul3A_485 = arith.mulf %div3A_483, %mul3A_484 : vector<2500x256xf32>
    %add3A_486 = vector.broadcast %get3A_460 : vector<1x256xf32> to vector<2500x256xf32>
    %add3A_487 = arith.addf %mul3A_485, %add3A_486 : vector<2500x256xf32>
    %get3A_488 = arith.constant 0 : index
    %get3A_489 = arith.constant 0 : index
    %get3A_490 = vector.load %arg28[%get3A_488, %get3A_489] : memref<256x256xf32, #tpu.memory_space<vmem>>, vector<256x256xf32>
    %dot_general3A_491 = arith.constant dense<0.000000e+00> : vector<2500x256xf32>
    %dot_general3A_492 = tpu.matmul %add3A_487, %get3A_490, %dot_general3A_491 {dimension_numbers = #tpu.dot_dimension_numbers<[1], [0], [0], [1], [0, 0, 1, 1], [], []>, transpose_lhs_hint = false} : vector<2500x256xf32>, vector<256x256xf32>, vector<2500x256xf32> -> vector<2500x256xf32>
    %get3A_493 = arith.constant 0 : index
    %get3A_494 = arith.constant 0 : index
    %get3A_495 = vector.load %arg29[%get3A_493, %get3A_494] : memref<1x256xf32, #tpu.memory_space<vmem>>, vector<1x256xf32>
    %add3A_496 = vector.broadcast %get3A_495 : vector<1x256xf32> to vector<2500x256xf32>
    %add3A_497 = arith.addf %dot_general3A_492, %add3A_496 : vector<2500x256xf32>
    %get3A_498 = arith.constant 0 : index
    %get3A_499 = arith.constant 0 : index
    %get3A_500 = vector.load %arg30[%get3A_498, %get3A_499] : memref<1x512xf32, #tpu.memory_space<vmem>>, vector<1x512xf32>
    %get3A_501 = arith.constant 0 : index
    %get3A_502 = arith.constant 0 : index
    %get3A_503 = vector.load %arg31[%get3A_501, %get3A_502] : memref<1x512xf32, #tpu.memory_space<vmem>>, vector<1x512xf32>
    %reduce_sum3A_504 = arith.constant dense<0.000000e+00> : vector<625xf32>
    %reduce_sum3A_505 = vector.multi_reduction <add>, %add3A_451, %reduce_sum3A_504 [1] : vector<625x512xf32> to vector<625xf32>
    %broadcast_in_dim3A_506 = vector.shape_cast %reduce_sum3A_505 : vector<625xf32> to vector<625x1xf32>
    %div3A_507 = arith.constant 5.120000e+02 : f32
    %div3A_508 = vector.broadcast %div3A_507 : f32 to vector<625x1xf32>
    %div3A_509 = arith.divf %broadcast_in_dim3A_506, %div3A_508 : vector<625x1xf32>
    %sub3A_510 = vector.broadcast %div3A_509 : vector<625x1xf32> to vector<625x512xf32>
    %sub3A_511 = arith.subf %add3A_451, %sub3A_510 : vector<625x512xf32>
    %integer_pow3A_512 = arith.mulf %sub3A_511, %sub3A_511 : vector<625x512xf32>
    %reduce_sum3A_513 = arith.constant dense<0.000000e+00> : vector<625xf32>
    %reduce_sum3A_514 = vector.multi_reduction <add>, %integer_pow3A_512, %reduce_sum3A_513 [1] : vector<625x512xf32> to vector<625xf32>
    %broadcast_in_dim3A_515 = vector.shape_cast %reduce_sum3A_514 : vector<625xf32> to vector<625x1xf32>
    %div3A_516 = arith.constant 5.120000e+02 : f32
    %div3A_517 = vector.broadcast %div3A_516 : f32 to vector<625x1xf32>
    %div3A_518 = arith.divf %broadcast_in_dim3A_515, %div3A_517 : vector<625x1xf32>
    %sub3A_519 = vector.broadcast %div3A_509 : vector<625x1xf32> to vector<625x512xf32>
    %sub3A_520 = arith.subf %add3A_451, %sub3A_519 : vector<625x512xf32>
    %add3A_521 = arith.constant 9.99999974E-6 : f32
    %add3A_522 = vector.broadcast %add3A_521 : f32 to vector<625x1xf32>
    %add3A_523 = arith.addf %div3A_518, %add3A_522 : vector<625x1xf32>
    %sqrt3A_524 = math.sqrt %add3A_523 : vector<625x1xf32>
    %div3A_525 = vector.broadcast %sqrt3A_524 : vector<625x1xf32> to vector<625x512xf32>
    %div3A_526 = arith.divf %sub3A_520, %div3A_525 : vector<625x512xf32>
    %mul3A_527 = vector.broadcast %get3A_500 : vector<1x512xf32> to vector<625x512xf32>
    %mul3A_528 = arith.mulf %div3A_526, %mul3A_527 : vector<625x512xf32>
    %add3A_529 = vector.broadcast %get3A_503 : vector<1x512xf32> to vector<625x512xf32>
    %add3A_530 = arith.addf %mul3A_528, %add3A_529 : vector<625x512xf32>
    %get3A_531 = arith.constant 0 : index
    %get3A_532 = arith.constant 0 : index
    %get3A_533 = vector.load %arg32[%get3A_531, %get3A_532] : memref<512x256xf32, #tpu.memory_space<vmem>>, vector<512x256xf32>
    %dot_general3A_534 = arith.constant dense<0.000000e+00> : vector<625x256xf32>
    %dot_general3A_535 = tpu.matmul %add3A_530, %get3A_533, %dot_general3A_534 {dimension_numbers = #tpu.dot_dimension_numbers<[1], [0], [0], [1], [0, 0, 1, 1], [], []>, transpose_lhs_hint = false} : vector<625x512xf32>, vector<512x256xf32>, vector<625x256xf32> -> vector<625x256xf32>
    %get3A_536 = arith.constant 0 : index
    %get3A_537 = arith.constant 0 : index
    %get3A_538 = vector.load %arg33[%get3A_536, %get3A_537] : memref<1x256xf32, #tpu.memory_space<vmem>>, vector<1x256xf32>
    %add3A_539 = vector.broadcast %get3A_538 : vector<1x256xf32> to vector<625x256xf32>
    %add3A_540 = arith.addf %dot_general3A_535, %add3A_539 : vector<625x256xf32>
    %get3A_541 = arith.constant 0 : index
    %get3A_542 = arith.constant 0 : index
    %get3A_543 = vector.load %arg8[%get3A_541, %get3A_542] : memref<2500x3xf32, #tpu.memory_space<vmem>>, vector<2500x3xf32>
    %get3A_544 = arith.constant 0 : index
    %get3A_545 = arith.constant 0 : index
    %get3A_546 = vector.load %arg7[%get3A_544, %get3A_545] : memref<3x625xf32, #tpu.memory_space<vmem>>, vector<3x625xf32>
    %slice3A_547 = vector.extract_strided_slice %get3A_543 {offsets = [0, 0], sizes = [2500, 1], strides = [1, 1]} : vector<2500x3xf32> to vector<2500x1xf32>
    %slice3A_548 = vector.extract_strided_slice %get3A_546 {offsets = [0, 0], sizes = [1, 625], strides = [1, 1]} : vector<3x625xf32> to vector<1x625xf32>
    %sub3A_549 = vector.broadcast %slice3A_547 : vector<2500x1xf32> to vector<2500x625xf32>
    %sub3A_550 = vector.broadcast %slice3A_548 : vector<1x625xf32> to vector<2500x625xf32>
    %sub3A_551 = arith.subf %sub3A_549, %sub3A_550 : vector<2500x625xf32>
    %mul3A_552 = arith.mulf %sub3A_551, %sub3A_551 : vector<2500x625xf32>
    %slice3A_553 = vector.extract_strided_slice %get3A_543 {offsets = [0, 1], sizes = [2500, 1], strides = [1, 1]} : vector<2500x3xf32> to vector<2500x1xf32>
    %slice3A_554 = vector.extract_strided_slice %get3A_546 {offsets = [1, 0], sizes = [1, 625], strides = [1, 1]} : vector<3x625xf32> to vector<1x625xf32>
    %sub3A_555 = vector.broadcast %slice3A_553 : vector<2500x1xf32> to vector<2500x625xf32>
    %sub3A_556 = vector.broadcast %slice3A_554 : vector<1x625xf32> to vector<2500x625xf32>
    %sub3A_557 = arith.subf %sub3A_555, %sub3A_556 : vector<2500x625xf32>
    %mul3A_558 = arith.mulf %sub3A_557, %sub3A_557 : vector<2500x625xf32>
    %add3A_559 = arith.addf %mul3A_552, %mul3A_558 : vector<2500x625xf32>
    %slice3A_560 = vector.extract_strided_slice %get3A_543 {offsets = [0, 2], sizes = [2500, 1], strides = [1, 1]} : vector<2500x3xf32> to vector<2500x1xf32>
    %slice3A_561 = vector.extract_strided_slice %get3A_546 {offsets = [2, 0], sizes = [1, 625], strides = [1, 1]} : vector<3x625xf32> to vector<1x625xf32>
    %sub3A_562 = vector.broadcast %slice3A_560 : vector<2500x1xf32> to vector<2500x625xf32>
    %sub3A_563 = vector.broadcast %slice3A_561 : vector<1x625xf32> to vector<2500x625xf32>
    %sub3A_564 = arith.subf %sub3A_562, %sub3A_563 : vector<2500x625xf32>
    %mul3A_565 = arith.mulf %sub3A_564, %sub3A_564 : vector<2500x625xf32>
    %add3A_566 = arith.addf %add3A_559, %mul3A_565 : vector<2500x625xf32>
    %iota3A_567 = tpu.iota {dimensions = array<i32: 1>} : vector<2500x625xi32>
    %convert_element_type3A_568 = arith.sitofp %iota3A_567 : vector<2500x625xi32> to vector<2500x625xf32>
    %reduce_min3A_569 = arith.constant dense<0x7F800000> : vector<2500xf32>
    %reduce_min3A_570 = vector.multi_reduction <minimumf>, %add3A_566, %reduce_min3A_569 [1] : vector<2500x625xf32> to vector<2500xf32>
    %broadcast_in_dim3A_571 = vector.shape_cast %reduce_min3A_570 : vector<2500xf32> to vector<2500x1xf32>
    %eq3A_572 = vector.broadcast %broadcast_in_dim3A_571 : vector<2500x1xf32> to vector<2500x625xf32>
    %eq3A_573 = arith.cmpf oeq, %add3A_566, %eq3A_572 : vector<2500x625xf32>
    %jit3A_574 = arith.constant 6.250000e+02 : f32
    %broadcast_in_dim3A_575 = vector.broadcast %jit3A_574 : f32 to vector<2500x625xf32>
    %select_n3A_576 = arith.select %eq3A_573, %convert_element_type3A_568, %broadcast_in_dim3A_575 : vector<2500x625xi1>, vector<2500x625xf32>
    %reduce_min3A_577 = arith.constant dense<0x7F800000> : vector<2500xf32>
    %reduce_min3A_578 = vector.multi_reduction <minimumf>, %select_n3A_576, %reduce_min3A_577 [1] : vector<2500x625xf32> to vector<2500xf32>
    %broadcast_in_dim3A_579 = vector.shape_cast %reduce_min3A_578 : vector<2500xf32> to vector<2500x1xf32>
    %max3A_580 = arith.constant 1.000000e-10 : f32
    %max3A_581 = vector.broadcast %max3A_580 : f32 to vector<2500x1xf32>
    %max3A_582 = arith.maximumf %broadcast_in_dim3A_571, %max3A_581 : vector<2500x1xf32>
    %sqrt3A_583 = math.sqrt %max3A_582 : vector<2500x1xf32>
    %add3A_584 = arith.constant 9.99999993E-9 : f32
    %add3A_585 = vector.broadcast %add3A_584 : f32 to vector<2500x1xf32>
    %add3A_586 = arith.addf %sqrt3A_583, %add3A_585 : vector<2500x1xf32>
    %div3A_587 = arith.constant 1.000000e+00 : f32
    %div3A_588 = vector.broadcast %div3A_587 : f32 to vector<2500x1xf32>
    %div3A_589 = arith.divf %div3A_588, %add3A_586 : vector<2500x1xf32>
    %eq3A_590 = vector.broadcast %broadcast_in_dim3A_579 : vector<2500x1xf32> to vector<2500x625xf32>
    %eq3A_591 = arith.cmpf oeq, %convert_element_type3A_568, %eq3A_590 : vector<2500x625xf32>
    %jit3A_592 = arith.constant 0x7F800000 : f32
    %broadcast_in_dim3A_593 = vector.broadcast %jit3A_592 : f32 to vector<2500x625xf32>
    %select_n3A_594 = arith.select %eq3A_591, %broadcast_in_dim3A_593, %add3A_566 : vector<2500x625xi1>, vector<2500x625xf32>
    %reduce_min3A_595 = arith.constant dense<0x7F800000> : vector<2500xf32>
    %reduce_min3A_596 = vector.multi_reduction <minimumf>, %select_n3A_594, %reduce_min3A_595 [1] : vector<2500x625xf32> to vector<2500xf32>
    %broadcast_in_dim3A_597 = vector.shape_cast %reduce_min3A_596 : vector<2500xf32> to vector<2500x1xf32>
    %eq3A_598 = vector.broadcast %broadcast_in_dim3A_597 : vector<2500x1xf32> to vector<2500x625xf32>
    %eq3A_599 = arith.cmpf oeq, %select_n3A_594, %eq3A_598 : vector<2500x625xf32>
    %jit3A_600 = arith.constant 6.250000e+02 : f32
    %broadcast_in_dim3A_601 = vector.broadcast %jit3A_600 : f32 to vector<2500x625xf32>
    %select_n3A_602 = arith.select %eq3A_599, %convert_element_type3A_568, %broadcast_in_dim3A_601 : vector<2500x625xi1>, vector<2500x625xf32>
    %reduce_min3A_603 = arith.constant dense<0x7F800000> : vector<2500xf32>
    %reduce_min3A_604 = vector.multi_reduction <minimumf>, %select_n3A_602, %reduce_min3A_603 [1] : vector<2500x625xf32> to vector<2500xf32>
    %broadcast_in_dim3A_605 = vector.shape_cast %reduce_min3A_604 : vector<2500xf32> to vector<2500x1xf32>
    %max3A_606 = arith.constant 1.000000e-10 : f32
    %max3A_607 = vector.broadcast %max3A_606 : f32 to vector<2500x1xf32>
    %max3A_608 = arith.maximumf %broadcast_in_dim3A_597, %max3A_607 : vector<2500x1xf32>
    %sqrt3A_609 = math.sqrt %max3A_608 : vector<2500x1xf32>
    %add3A_610 = arith.constant 9.99999993E-9 : f32
    %add3A_611 = vector.broadcast %add3A_610 : f32 to vector<2500x1xf32>
    %add3A_612 = arith.addf %sqrt3A_609, %add3A_611 : vector<2500x1xf32>
    %div3A_613 = arith.constant 1.000000e+00 : f32
    %div3A_614 = vector.broadcast %div3A_613 : f32 to vector<2500x1xf32>
    %div3A_615 = arith.divf %div3A_614, %add3A_612 : vector<2500x1xf32>
    %add3A_616 = arith.addf %div3A_589, %div3A_615 : vector<2500x1xf32>
    %eq3A_617 = vector.broadcast %broadcast_in_dim3A_605 : vector<2500x1xf32> to vector<2500x625xf32>
    %eq3A_618 = arith.cmpf oeq, %convert_element_type3A_568, %eq3A_617 : vector<2500x625xf32>
    %jit3A_619 = arith.constant 0x7F800000 : f32
    %broadcast_in_dim3A_620 = vector.broadcast %jit3A_619 : f32 to vector<2500x625xf32>
    %select_n3A_621 = arith.select %eq3A_618, %broadcast_in_dim3A_620, %select_n3A_594 : vector<2500x625xi1>, vector<2500x625xf32>
    %reduce_min3A_622 = arith.constant dense<0x7F800000> : vector<2500xf32>
    %reduce_min3A_623 = vector.multi_reduction <minimumf>, %select_n3A_621, %reduce_min3A_622 [1] : vector<2500x625xf32> to vector<2500xf32>
    %broadcast_in_dim3A_624 = vector.shape_cast %reduce_min3A_623 : vector<2500xf32> to vector<2500x1xf32>
    %eq3A_625 = vector.broadcast %broadcast_in_dim3A_624 : vector<2500x1xf32> to vector<2500x625xf32>
    %eq3A_626 = arith.cmpf oeq, %select_n3A_621, %eq3A_625 : vector<2500x625xf32>
    %jit3A_627 = arith.constant 6.250000e+02 : f32
    %broadcast_in_dim3A_628 = vector.broadcast %jit3A_627 : f32 to vector<2500x625xf32>
    %select_n3A_629 = arith.select %eq3A_626, %convert_element_type3A_568, %broadcast_in_dim3A_628 : vector<2500x625xi1>, vector<2500x625xf32>
    %reduce_min3A_630 = arith.constant dense<0x7F800000> : vector<2500xf32>
    %reduce_min3A_631 = vector.multi_reduction <minimumf>, %select_n3A_629, %reduce_min3A_630 [1] : vector<2500x625xf32> to vector<2500xf32>
    %broadcast_in_dim3A_632 = vector.shape_cast %reduce_min3A_631 : vector<2500xf32> to vector<2500x1xf32>
    %max3A_633 = arith.constant 1.000000e-10 : f32
    %max3A_634 = vector.broadcast %max3A_633 : f32 to vector<2500x1xf32>
    %max3A_635 = arith.maximumf %broadcast_in_dim3A_624, %max3A_634 : vector<2500x1xf32>
    %sqrt3A_636 = math.sqrt %max3A_635 : vector<2500x1xf32>
    %add3A_637 = arith.constant 9.99999993E-9 : f32
    %add3A_638 = vector.broadcast %add3A_637 : f32 to vector<2500x1xf32>
    %add3A_639 = arith.addf %sqrt3A_636, %add3A_638 : vector<2500x1xf32>
    %div3A_640 = arith.constant 1.000000e+00 : f32
    %div3A_641 = vector.broadcast %div3A_640 : f32 to vector<2500x1xf32>
    %div3A_642 = arith.divf %div3A_641, %add3A_639 : vector<2500x1xf32>
    %add3A_643 = arith.addf %add3A_616, %div3A_642 : vector<2500x1xf32>
    %concatenate3A_644 = tpu.concatenate %broadcast_in_dim3A_579, %broadcast_in_dim3A_605, %broadcast_in_dim3A_632 in 1 : vector<2500x1xf32>, vector<2500x1xf32>, vector<2500x1xf32> -> vector<2500x3xf32>
    %convert_element_type3A_645 = arith.fptosi %concatenate3A_644 : vector<2500x3xf32> to vector<2500x3xi32>
    %div3A_646 = arith.divf %div3A_589, %add3A_643 : vector<2500x1xf32>
    %div3A_647 = arith.divf %div3A_615, %add3A_643 : vector<2500x1xf32>
    %div3A_648 = arith.divf %div3A_642, %add3A_643 : vector<2500x1xf32>
    %concatenate3A_649 = tpu.concatenate %div3A_646, %div3A_647, %div3A_648 in 1 : vector<2500x1xf32>, vector<2500x1xf32>, vector<2500x1xf32> -> vector<2500x3xf32>
    %iota3A_650 = tpu.iota {dimensions = array<i32: 1>} : vector<2500x625xi32>
    %broadcast_in_dim3A_651 = arith.constant 0.000000e+00 : f32
    %broadcast_in_dim3A_652 = vector.broadcast %broadcast_in_dim3A_651 : f32 to vector<2500x625xf32>
    %slice3A_653 = vector.extract_strided_slice %convert_element_type3A_645 {offsets = [0, 0], sizes = [2500, 1], strides = [1, 1]} : vector<2500x3xi32> to vector<2500x1xi32>
    %eq3A_654 = vector.broadcast %slice3A_653 : vector<2500x1xi32> to vector<2500x625xi32>
    %eq3A_655 = arith.cmpi eq, %iota3A_650, %eq3A_654 : vector<2500x625xi32>
    %slice3A_656 = vector.extract_strided_slice %concatenate3A_649 {offsets = [0, 0], sizes = [2500, 1], strides = [1, 1]} : vector<2500x3xf32> to vector<2500x1xf32>
    %jit3A_657 = arith.constant 0.000000e+00 : f32
    %broadcast_in_dim3A_658 = vector.shape_cast %slice3A_656 : vector<2500x1xf32> to vector<2500x1xf32>
    %broadcast_in_dim3A_659 = vector.broadcast %broadcast_in_dim3A_658 : vector<2500x1xf32> to vector<2500x625xf32>
    %broadcast_in_dim3A_660 = vector.broadcast %jit3A_657 : f32 to vector<2500x625xf32>
    %select_n3A_661 = arith.select %eq3A_655, %broadcast_in_dim3A_659, %broadcast_in_dim3A_660 : vector<2500x625xi1>, vector<2500x625xf32>
    %add3A_662 = arith.addf %broadcast_in_dim3A_652, %select_n3A_661 : vector<2500x625xf32>
    %slice3A_663 = vector.extract_strided_slice %convert_element_type3A_645 {offsets = [0, 1], sizes = [2500, 1], strides = [1, 1]} : vector<2500x3xi32> to vector<2500x1xi32>
    %eq3A_664 = vector.broadcast %slice3A_663 : vector<2500x1xi32> to vector<2500x625xi32>
    %eq3A_665 = arith.cmpi eq, %iota3A_650, %eq3A_664 : vector<2500x625xi32>
    %slice3A_666 = vector.extract_strided_slice %concatenate3A_649 {offsets = [0, 1], sizes = [2500, 1], strides = [1, 1]} : vector<2500x3xf32> to vector<2500x1xf32>
    %jit3A_667 = arith.constant 0.000000e+00 : f32
    %broadcast_in_dim3A_668 = vector.shape_cast %slice3A_666 : vector<2500x1xf32> to vector<2500x1xf32>
    %broadcast_in_dim3A_669 = vector.broadcast %broadcast_in_dim3A_668 : vector<2500x1xf32> to vector<2500x625xf32>
    %broadcast_in_dim3A_670 = vector.broadcast %jit3A_667 : f32 to vector<2500x625xf32>
    %select_n3A_671 = arith.select %eq3A_665, %broadcast_in_dim3A_669, %broadcast_in_dim3A_670 : vector<2500x625xi1>, vector<2500x625xf32>
    %add3A_672 = arith.addf %add3A_662, %select_n3A_671 : vector<2500x625xf32>
    %slice3A_673 = vector.extract_strided_slice %convert_element_type3A_645 {offsets = [0, 2], sizes = [2500, 1], strides = [1, 1]} : vector<2500x3xi32> to vector<2500x1xi32>
    %eq3A_674 = vector.broadcast %slice3A_673 : vector<2500x1xi32> to vector<2500x625xi32>
    %eq3A_675 = arith.cmpi eq, %iota3A_650, %eq3A_674 : vector<2500x625xi32>
    %slice3A_676 = vector.extract_strided_slice %concatenate3A_649 {offsets = [0, 2], sizes = [2500, 1], strides = [1, 1]} : vector<2500x3xf32> to vector<2500x1xf32>
    %jit3A_677 = arith.constant 0.000000e+00 : f32
    %broadcast_in_dim3A_678 = vector.shape_cast %slice3A_676 : vector<2500x1xf32> to vector<2500x1xf32>
    %broadcast_in_dim3A_679 = vector.broadcast %broadcast_in_dim3A_678 : vector<2500x1xf32> to vector<2500x625xf32>
    %broadcast_in_dim3A_680 = vector.broadcast %jit3A_677 : f32 to vector<2500x625xf32>
    %select_n3A_681 = arith.select %eq3A_675, %broadcast_in_dim3A_679, %broadcast_in_dim3A_680 : vector<2500x625xi1>, vector<2500x625xf32>
    %add3A_682 = arith.addf %add3A_672, %select_n3A_681 : vector<2500x625xf32>
    %dot_general3A_683 = arith.constant dense<0.000000e+00> : vector<2500x256xf32>
    %dot_general3A_684 = tpu.matmul %add3A_682, %add3A_540, %dot_general3A_683 {dimension_numbers = #tpu.dot_dimension_numbers<[1], [0], [0], [1], [0, 0, 1, 1], [], []>, transpose_lhs_hint = false} : vector<2500x625xf32>, vector<625x256xf32>, vector<2500x256xf32> -> vector<2500x256xf32>
    %add3A_685 = arith.addf %add3A_497, %dot_general3A_684 : vector<2500x256xf32>
    %get3A_686 = arith.constant 0 : index
    %get3A_687 = arith.constant 0 : index
    %get3A_688 = vector.load %arg34[%get3A_686, %get3A_687] : memref<1x256xf32, #tpu.memory_space<vmem>>, vector<1x256xf32>
    %get3A_689 = arith.constant 0 : index
    %get3A_690 = arith.constant 0 : index
    %get3A_691 = vector.load %arg35[%get3A_689, %get3A_690] : memref<1x256xf32, #tpu.memory_space<vmem>>, vector<1x256xf32>
    %reduce_sum3A_692 = arith.constant dense<0.000000e+00> : vector<2500xf32>
    %reduce_sum3A_693 = vector.multi_reduction <add>, %add3A_685, %reduce_sum3A_692 [1] : vector<2500x256xf32> to vector<2500xf32>
    %broadcast_in_dim3A_694 = vector.shape_cast %reduce_sum3A_693 : vector<2500xf32> to vector<2500x1xf32>
    %div3A_695 = arith.constant 2.560000e+02 : f32
    %div3A_696 = vector.broadcast %div3A_695 : f32 to vector<2500x1xf32>
    %div3A_697 = arith.divf %broadcast_in_dim3A_694, %div3A_696 : vector<2500x1xf32>
    %sub3A_698 = vector.broadcast %div3A_697 : vector<2500x1xf32> to vector<2500x256xf32>
    %sub3A_699 = arith.subf %add3A_685, %sub3A_698 : vector<2500x256xf32>
    %integer_pow3A_700 = arith.mulf %sub3A_699, %sub3A_699 : vector<2500x256xf32>
    %reduce_sum3A_701 = arith.constant dense<0.000000e+00> : vector<2500xf32>
    %reduce_sum3A_702 = vector.multi_reduction <add>, %integer_pow3A_700, %reduce_sum3A_701 [1] : vector<2500x256xf32> to vector<2500xf32>
    %broadcast_in_dim3A_703 = vector.shape_cast %reduce_sum3A_702 : vector<2500xf32> to vector<2500x1xf32>
    %div3A_704 = arith.constant 2.560000e+02 : f32
    %div3A_705 = vector.broadcast %div3A_704 : f32 to vector<2500x1xf32>
    %div3A_706 = arith.divf %broadcast_in_dim3A_703, %div3A_705 : vector<2500x1xf32>
    %sub3A_707 = vector.broadcast %div3A_697 : vector<2500x1xf32> to vector<2500x256xf32>
    %sub3A_708 = arith.subf %add3A_685, %sub3A_707 : vector<2500x256xf32>
    %add3A_709 = arith.constant 9.99999974E-6 : f32
    %add3A_710 = vector.broadcast %add3A_709 : f32 to vector<2500x1xf32>
    %add3A_711 = arith.addf %div3A_706, %add3A_710 : vector<2500x1xf32>
    %sqrt3A_712 = math.sqrt %add3A_711 : vector<2500x1xf32>
    %div3A_713 = vector.broadcast %sqrt3A_712 : vector<2500x1xf32> to vector<2500x256xf32>
    %div3A_714 = arith.divf %sub3A_708, %div3A_713 : vector<2500x256xf32>
    %mul3A_715 = vector.broadcast %get3A_688 : vector<1x256xf32> to vector<2500x256xf32>
    %mul3A_716 = arith.mulf %div3A_714, %mul3A_715 : vector<2500x256xf32>
    %add3A_717 = vector.broadcast %get3A_691 : vector<1x256xf32> to vector<2500x256xf32>
    %add3A_718 = arith.addf %mul3A_716, %add3A_717 : vector<2500x256xf32>
    %get3A_719 = arith.constant 0 : index
    %get3A_720 = arith.constant 0 : index
    %get3A_721 = vector.load %arg36[%get3A_719, %get3A_720] : memref<256x128xf32, #tpu.memory_space<vmem>>, vector<256x128xf32>
    %dot_general3A_722 = arith.constant dense<0.000000e+00> : vector<2500x128xf32>
    %dot_general3A_723 = tpu.matmul %add3A_718, %get3A_721, %dot_general3A_722 {dimension_numbers = #tpu.dot_dimension_numbers<[1], [0], [0], [1], [0, 0, 1, 1], [], []>, transpose_lhs_hint = false} : vector<2500x256xf32>, vector<256x128xf32>, vector<2500x128xf32> -> vector<2500x128xf32>
    %get3A_724 = arith.constant 0 : index
    %get3A_725 = arith.constant 0 : index
    %get3A_726 = vector.load %arg37[%get3A_724, %get3A_725] : memref<1x128xf32, #tpu.memory_space<vmem>>, vector<1x128xf32>
    %add3A_727 = vector.broadcast %get3A_726 : vector<1x128xf32> to vector<2500x128xf32>
    %add3A_728 = arith.addf %dot_general3A_723, %add3A_727 : vector<2500x128xf32>
    %swap3A = arith.constant 0 : index
    %swap3A_729 = arith.constant 0 : index
    %swap3A_730 = vector.load %arg38[%swap3A, %swap3A_729] : memref<2500x128xf32, #tpu.memory_space<vmem>>, vector<2500x128xf32>
    tpu.vector_store %arg38[%swap3A, %swap3A_729], %add3A_728 {strides = array<i32>} : memref<2500x128xf32, #tpu.memory_space<vmem>>, vector<2500x128xf32>,
    return
  }
}

module attributes {stable_mosaic.version = 14 : i64} {
  func.func @_head_body(%arg0: i32, %arg1: memref<10000x128xf32, #tpu.memory_space<vmem>>, %arg2: memref<10000x384xf32, #tpu.memory_space<vmem>>, %arg3: memref<10000x3xf32, #tpu.memory_space<vmem>>, %arg4: memref<128x128xf32, #tpu.memory_space<vmem>>, %arg5: memref<1x128xf32, #tpu.memory_space<vmem>>, %arg6: memref<1x128xf32, #tpu.memory_space<vmem>>, %arg7: memref<1x128xf32, #tpu.memory_space<vmem>>, %arg8: memref<1x128xf32, #tpu.memory_space<vmem>>, %arg9: memref<1x1xf32, #tpu.memory_space<vmem>>, %arg10: memref<10000x1xf32, #tpu.memory_space<vmem>>) attributes {dimension_semantics = [#tpu.dimension_semantics<arbitrary>], iteration_bounds = array<i64: 1>, scalar_prefetch = 0 : i64, scratch_operands = 0 : i64, tpu.core_type = #tpu.core_type<tc>, window_params = [{transform_indices = @transform_0, window_bounds = array<i64: 10000, 128>}, {transform_indices = @transform_1, window_bounds = array<i64: 10000, 384>}, {transform_indices = @transform_2, window_bounds = array<i64: 10000, 3>}, {pipeline_mode = #tpu.pipeline_mode<synchronous>, transform_indices = @transform_3, window_bounds = array<i64: 128, 128>}, {pipeline_mode = #tpu.pipeline_mode<synchronous>, transform_indices = @transform_4, window_bounds = array<i64: 1, 128>}, {pipeline_mode = #tpu.pipeline_mode<synchronous>, transform_indices = @transform_5, window_bounds = array<i64: 1, 128>}, {pipeline_mode = #tpu.pipeline_mode<synchronous>, transform_indices = @transform_6, window_bounds = array<i64: 1, 128>}, {pipeline_mode = #tpu.pipeline_mode<synchronous>, transform_indices = @transform_7, window_bounds = array<i64: 1, 128>}, {pipeline_mode = #tpu.pipeline_mode<synchronous>, transform_indices = @transform_8, window_bounds = array<i64: 1, 1>}, {transform_indices = @transform_9, window_bounds = array<i64: 10000, 1>}]} {
    %get3A = arith.constant 0 : index
    %get3A_0 = arith.constant 0 : index
    %get3A_1 = vector.load %arg2[%get3A, %get3A_0] : memref<10000x384xf32, #tpu.memory_space<vmem>>, vector<10000x384xf32>
    %get3A_2 = arith.constant 0 : index
    %get3A_3 = arith.constant 0 : index
    %get3A_4 = vector.load %arg3[%get3A_2, %get3A_3] : memref<10000x3xf32, #tpu.memory_space<vmem>>, vector<10000x3xf32>
    %slice3A = vector.extract_strided_slice %get3A_4 {offsets = [0, 0], sizes = [10000, 1], strides = [1, 1]} : vector<10000x3xf32> to vector<10000x1xf32>
    %slice3A_5 = vector.extract_strided_slice %get3A_1 {offsets = [0, 0], sizes = [10000, 128], strides = [1, 1]} : vector<10000x384xf32> to vector<10000x128xf32>
    %mul3A = vector.broadcast %slice3A : vector<10000x1xf32> to vector<10000x128xf32>
    %mul3A_6 = arith.mulf %mul3A, %slice3A_5 : vector<10000x128xf32>
    %slice3A_7 = vector.extract_strided_slice %get3A_4 {offsets = [0, 1], sizes = [10000, 1], strides = [1, 1]} : vector<10000x3xf32> to vector<10000x1xf32>
    %slice3A_8 = vector.extract_strided_slice %get3A_1 {offsets = [0, 128], sizes = [10000, 128], strides = [1, 1]} : vector<10000x384xf32> to vector<10000x128xf32>
    %mul3A_9 = vector.broadcast %slice3A_7 : vector<10000x1xf32> to vector<10000x128xf32>
    %mul3A_10 = arith.mulf %mul3A_9, %slice3A_8 : vector<10000x128xf32>
    %add3A = arith.addf %mul3A_6, %mul3A_10 : vector<10000x128xf32>
    %slice3A_11 = vector.extract_strided_slice %get3A_4 {offsets = [0, 2], sizes = [10000, 1], strides = [1, 1]} : vector<10000x3xf32> to vector<10000x1xf32>
    %slice3A_12 = vector.extract_strided_slice %get3A_1 {offsets = [0, 256], sizes = [10000, 128], strides = [1, 1]} : vector<10000x384xf32> to vector<10000x128xf32>
    %mul3A_13 = vector.broadcast %slice3A_11 : vector<10000x1xf32> to vector<10000x128xf32>
    %mul3A_14 = arith.mulf %mul3A_13, %slice3A_12 : vector<10000x128xf32>
    %add3A_15 = arith.addf %add3A, %mul3A_14 : vector<10000x128xf32>
    %get3A_16 = arith.constant 0 : index
    %get3A_17 = arith.constant 0 : index
    %get3A_18 = vector.load %arg1[%get3A_16, %get3A_17] : memref<10000x128xf32, #tpu.memory_space<vmem>>, vector<10000x128xf32>
    %add3A_19 = arith.addf %get3A_18, %add3A_15 : vector<10000x128xf32>
    %get3A_20 = arith.constant 0 : index
    %get3A_21 = arith.constant 0 : index
    %get3A_22 = vector.load %arg4[%get3A_20, %get3A_21] : memref<128x128xf32, #tpu.memory_space<vmem>>, vector<128x128xf32>
    %dot_general3A = arith.constant dense<0.000000e+00> : vector<10000x128xf32>
    %dot_general3A_23 = tpu.matmul %add3A_19, %get3A_22, %dot_general3A {dimension_numbers = #tpu.dot_dimension_numbers<[1], [0], [0], [1], [0, 0, 1, 1], [], []>, transpose_lhs_hint = false} : vector<10000x128xf32>, vector<128x128xf32>, vector<10000x128xf32> -> vector<10000x128xf32>
    %get3A_24 = arith.constant 0 : index
    %get3A_25 = arith.constant 0 : index
    %get3A_26 = vector.load %arg5[%get3A_24, %get3A_25] : memref<1x128xf32, #tpu.memory_space<vmem>>, vector<1x128xf32>
    %add3A_27 = vector.broadcast %get3A_26 : vector<1x128xf32> to vector<10000x128xf32>
    %add3A_28 = arith.addf %dot_general3A_23, %add3A_27 : vector<10000x128xf32>
    %reduce_sum3A = arith.constant dense<0.000000e+00> : vector<128xf32>
    %reduce_sum3A_29 = vector.multi_reduction <add>, %add3A_28, %reduce_sum3A [0] : vector<10000x128xf32> to vector<128xf32>
    %broadcast_in_dim3A = vector.shape_cast %reduce_sum3A_29 : vector<128xf32> to vector<1x128xf32>
    %div3A = arith.constant 1.000000e+04 : f32
    %div3A_30 = vector.broadcast %div3A : f32 to vector<1x128xf32>
    %div3A_31 = arith.divf %broadcast_in_dim3A, %div3A_30 : vector<1x128xf32>
    %sub3A = vector.broadcast %div3A_31 : vector<1x128xf32> to vector<10000x128xf32>
    %sub3A_32 = arith.subf %add3A_28, %sub3A : vector<10000x128xf32>
    %integer_pow3A = arith.mulf %sub3A_32, %sub3A_32 : vector<10000x128xf32>
    %reduce_sum3A_33 = arith.constant dense<0.000000e+00> : vector<128xf32>
    %reduce_sum3A_34 = vector.multi_reduction <add>, %integer_pow3A, %reduce_sum3A_33 [0] : vector<10000x128xf32> to vector<128xf32>
    %broadcast_in_dim3A_35 = vector.shape_cast %reduce_sum3A_34 : vector<128xf32> to vector<1x128xf32>
    %div3A_36 = arith.constant 1.000000e+04 : f32
    %div3A_37 = vector.broadcast %div3A_36 : f32 to vector<1x128xf32>
    %div3A_38 = arith.divf %broadcast_in_dim3A_35, %div3A_37 : vector<1x128xf32>
    %sub3A_39 = vector.broadcast %div3A_31 : vector<1x128xf32> to vector<10000x128xf32>
    %sub3A_40 = arith.subf %add3A_28, %sub3A_39 : vector<10000x128xf32>
    %add3A_41 = arith.constant 9.99999974E-6 : f32
    %add3A_42 = vector.broadcast %add3A_41 : f32 to vector<1x128xf32>
    %add3A_43 = arith.addf %div3A_38, %add3A_42 : vector<1x128xf32>
    %sqrt3A = math.sqrt %add3A_43 : vector<1x128xf32>
    %div3A_44 = vector.broadcast %sqrt3A : vector<1x128xf32> to vector<10000x128xf32>
    %div3A_45 = arith.divf %sub3A_40, %div3A_44 : vector<10000x128xf32>
    %get3A_46 = arith.constant 0 : index
    %get3A_47 = arith.constant 0 : index
    %get3A_48 = vector.load %arg6[%get3A_46, %get3A_47] : memref<1x128xf32, #tpu.memory_space<vmem>>, vector<1x128xf32>
    %mul3A_49 = vector.broadcast %get3A_48 : vector<1x128xf32> to vector<10000x128xf32>
    %mul3A_50 = arith.mulf %div3A_45, %mul3A_49 : vector<10000x128xf32>
    %get3A_51 = arith.constant 0 : index
    %get3A_52 = arith.constant 0 : index
    %get3A_53 = vector.load %arg7[%get3A_51, %get3A_52] : memref<1x128xf32, #tpu.memory_space<vmem>>, vector<1x128xf32>
    %add3A_54 = vector.broadcast %get3A_53 : vector<1x128xf32> to vector<10000x128xf32>
    %add3A_55 = arith.addf %mul3A_50, %add3A_54 : vector<10000x128xf32>
    %max3A = arith.constant 0.000000e+00 : f32
    %max3A_56 = vector.broadcast %max3A : f32 to vector<10000x128xf32>
    %max3A_57 = arith.maximumf %add3A_55, %max3A_56 : vector<10000x128xf32>
    %get3A_58 = arith.constant 0 : index
    %get3A_59 = arith.constant 0 : index
    %get3A_60 = vector.load %arg8[%get3A_58, %get3A_59] : memref<1x128xf32, #tpu.memory_space<vmem>>, vector<1x128xf32>
    %mul3A_61 = vector.broadcast %get3A_60 : vector<1x128xf32> to vector<10000x128xf32>
    %mul3A_62 = arith.mulf %max3A_57, %mul3A_61 : vector<10000x128xf32>
    %reduce_sum3A_63 = arith.constant dense<0.000000e+00> : vector<10000xf32>
    %reduce_sum3A_64 = vector.multi_reduction <add>, %mul3A_62, %reduce_sum3A_63 [1] : vector<10000x128xf32> to vector<10000xf32>
    %broadcast_in_dim3A_65 = vector.shape_cast %reduce_sum3A_64 : vector<10000xf32> to vector<10000x1xf32>
    %get3A_66 = arith.constant 0 : index
    %get3A_67 = arith.constant 0 : index
    %get3A_68 = vector.load %arg9[%get3A_66, %get3A_67] : memref<1x1xf32, #tpu.memory_space<vmem>>, vector<1x1xf32>
    %add3A_69 = vector.broadcast %get3A_68 : vector<1x1xf32> to vector<10000x1xf32>
    %add3A_70 = arith.addf %broadcast_in_dim3A_65, %add3A_69 : vector<10000x1xf32>
    %swap3A = arith.constant 0 : index
    %swap3A_71 = arith.constant 0 : index
    %swap3A_72 = vector.load %arg10[%swap3A, %swap3A_71] : memref<10000x1xf32, #tpu.memory_space<vmem>>, vector<10000x1xf32>
    tpu.vector_store %arg10[%swap3A, %swap3A_71], %add3A_70 {strides = array<i32>} : memref<10000x1xf32, #tpu.memory_space<vmem>>, vector<10000x1xf32>,
    return
  }
  func.func @transform_0(%arg0: i32) -> (i32, i32) {
    %c0_i32 = arith.constant 0 : i32
    %c0_i32_0 = arith.constant 0 : i32
    return %arg0, %c0_i32 : i32, i32
  }
  func.func @transform_1(%arg0: i32) -> (i32, i32) {
    %c0_i32 = arith.constant 0 : i32
    %c0_i32_0 = arith.constant 0 : i32
    return %arg0, %c0_i32 : i32, i32
  }
  func.func @transform_2(%arg0: i32) -> (i32, i32) {
    %c0_i32 = arith.constant 0 : i32
    %c0_i32_0 = arith.constant 0 : i32
    return %arg0, %c0_i32 : i32, i32
  }
  func.func @transform_3(%arg0: i32) -> (i32, i32) {
    %c0_i32 = arith.constant 0 : i32
    %c0_i32_0 = arith.constant 0 : i32
    %c0_i32_1 = arith.constant 0 : i32
    return %c0_i32, %c0_i32_0 : i32, i32
  }
  func.func @transform_4(%arg0: i32) -> (i32, i32) {
    %c0_i32 = arith.constant 0 : i32
    %c0_i32_0 = arith.constant 0 : i32
    %c0_i32_1 = arith.constant 0 : i32
    return %c0_i32, %c0_i32_0 : i32, i32
  }
  func.func @transform_5(%arg0: i32) -> (i32, i32) {
    %c0_i32 = arith.constant 0 : i32
    %c0_i32_0 = arith.constant 0 : i32
    %c0_i32_1 = arith.constant 0 : i32
    return %c0_i32, %c0_i32_0 : i32, i32
  }
  func.func @transform_6(%arg0: i32) -> (i32, i32) {
    %c0_i32 = arith.constant 0 : i32
    %c0_i32_0 = arith.constant 0 : i32
    %c0_i32_1 = arith.constant 0 : i32
    return %c0_i32, %c0_i32_0 : i32, i32
  }
  func.func @transform_7(%arg0: i32) -> (i32, i32) {
    %c0_i32 = arith.constant 0 : i32
    %c0_i32_0 = arith.constant 0 : i32
    %c0_i32_1 = arith.constant 0 : i32
    return %c0_i32, %c0_i32_0 : i32, i32
  }
  func.func @transform_8(%arg0: i32) -> (i32, i32) {
    %c0_i32 = arith.constant 0 : i32
    %c0_i32_0 = arith.constant 0 : i32
    %c0_i32_1 = arith.constant 0 : i32
    return %c0_i32, %c0_i32_0 : i32, i32
  }
  func.func @transform_9(%arg0: i32) -> (i32, i32) {
    %c0_i32 = arith.constant 0 : i32
    %c0_i32_0 = arith.constant 0 : i32
    return %arg0, %c0_i32 : i32, i32
  }
}

</mosaic_0001>

<sc_bundles>
// kernel: kernel.6.cloned.1.call-start
scs
__scs_entry_jumppad:
0x0: {  	(pc) =	sbr.rel $0x88, $3  }
0x1: {  	(tag) =	ssettag $0x0;
	lr =	simm.s32 $0x1  }
0x2: {  	[smem:$0x3F6E] =	sst lr;
	_ =	strace $0xD0000000  }
0x3: {  	_ = 	snop  }
0x4: {  	_ = 	snop  }
0x5: {  	_ = 	snop  }
0x6: {  	_ = 	snop  }
0x7: {  	_ = 	snop  }
__scs_overlays_trampoline_lowered:
0x8: {  	[smem:$0x3F7D] =	sst s0  }
0x9: {  	[smem:$0x3F7E] =	sst s1  }
0xa: {  	[smem:$0x3F7F] =	sst s2  }
0xb: {  	[smem:$0x3F80] =	sst s3  }
0xc: {  	[smem:$0x3F81] =	sst s4  }
0xd: {  	[smem:$0x3F82] =	sst s5  }
0xe: {  	[smem:$0x3F83] =	sst s6  }
0xf: {  	[smem:$0x3F84] =	sst s7  }
0x10: {  	[smem:$0x3F85] =	sst s8  }
0x11: {  	[smem:$0x3F86] =	sst s9;
	s0 =	simm.s32 @!p0 $0x0  }
0x12: {  	s1 =	sld [smem:$0x3F6C];
	s0 =	simm.s32 @p0 $0x1  }
0x13: {  	[smem:$0x3F87] =	sst s0;
	s0 =	simm.s32 @!p1 $0x0  }
0x14: {  	s2 =	sld [smem:$0x3F6B];
	s0 =	simm.s32 @p1 $0x1  }
0x15: {  	[smem:$0x3F88] =	sst s0;
	s0 =	simm.s32 @!p2 $0x0  }
0x16: {  	s3 =	sld [smem:$0x3FDB];
	s0 =	simm.s32 @p2 $0x1  }
0x17: {  	s4 =	simm.s32 $0x1BF5;
	[smem:$0x3F8A] =	sst s0  }
0x18: {  	s0 =	sld [smem:$0x3F6D];
	_ =	swait.ge [sflag:s4], $0x0  }
0x19: {  	s7 =	sld [smem:$0x3F6E]  }
0x1a: {  	s8 =	sadd.s32 $0xFFFFE003, lr  }
0x1b: {  	s9 =	sadd.s32 $0xFFFFFEF7, lr;
	s5 =	simm.s32 $0xFFFFFFFF;
	p2 =	slt.u32 s8, $0xFFFFF086  }
0x1c: {  	p1 =	slt.u32 s9, $0xF7A;
	s5 =	simm.s32 @!p2 $0x0  }
0x1d: {  	s5 =	simm.s32 @p1 $0x1;
	p0 =	seq.s32 s7, s2  }
0x1e: {  	s7 =	smul.u32 @!p0 $0xF7A, s2;
	p2 =	seq.s32 @!p0 s5, $0x0  }
0x1f: {  	s9 =	smul.u32 $0xF7A, s1;
	s8 =	simm.s32 @!p0 $0x1BF5;
	p2 =	por !p2, p0  }
0x20: {  	[sflag:s8] =	ssyncset.s32 @!p0 $0xFFFFF086;
	s6 =	sadd.s32 @!p0 s3, s7;
	s7 =	simm.s32 @!p0 $0x108  }
0x21: {  	s3 =	sadd.s32 s3, s9;
	s6 =	sadd.s32 @!p0 $0x88, s6;
	s7 =	simm.s32 @p2 $0x1082  }
0x22: {  	[simem:s7], [sflag:s8] =	dma.local @!p0 [hbm:s6], $0xF7A  }
0x23: {  	s9 =	sor.u32 $0xD0000000, s2;
	s6 =	simm.s32 $0x108;
	_ =	swait.ge @!p0 [sflag:s8], $0x0  }
0x24: {  	s3 =	sadd.s32 $0x88, s3;
	s6 =	simm.s32 @!p1 $0x1082;
	[sflag:s4] =	ssyncset.s32 $0xFFFFF086  }
0x25: {  	[simem:s6], [sflag:s4] =	dma.local [hbm:s3], $0xF7A  }
0x26: {  	[smem:$0x3F6E] =	sst s1;
	(tag) =	ssettag s2;
	_ =	strace s9  }
0x27: {  	s1 =	sld [smem:$0x3F7E]  }
0x28: {  	s2 =	sld [smem:$0x3F7F]  }
0x29: {  	s4 =	sld [smem:$0x3F81]  }
0x2a: {  	p0 =	seq.s32 s5, $0x0;
	s5 =	sld [smem:$0x3F82]  }
0x2b: {  	s6 =	sld [smem:$0x3F83]  }
0x2c: {  	s7 =	sld [smem:$0x3F84]  }
0x2d: {  	s3 =	simm.s32 $0x108;
	s8 =	sld [smem:$0x3F85]  }
0x2e: {  	s3 =	simm.s32 @!p0 $0x1082;
	s9 =	sld [smem:$0x3F86]  }
0x2f: {  	lr =	sadd.s32 s0, s3;
	s0 =	sld [smem:$0x3F7D]  }
0x30: {  	s3 =	sld [smem:$0x3F80]  }
0x31: {  	[smem:$0x3F89] =	sst s10  }
0x32: {  	s10 =	sld [smem:$0x3F87];
	_ =	sdelay $0x3  }
0x33: {  	p0 =	seq.s32 s10, $0x1;
	s10 =	sld [smem:$0x3F89];
	_ =	sdelay $0x3  }
0x34: {  	[smem:$0x3F89] =	sst s10  }
0x35: {  	s10 =	sld [smem:$0x3F88];
	_ =	sdelay $0x3  }
0x36: {  	p1 =	seq.s32 s10, $0x1;
	s10 =	sld [smem:$0x3F89];
	_ =	sdelay $0x3  }
0x37: {  	[smem:$0x3F89] =	sst s10  }
0x38: {  	s10 =	sld [smem:$0x3F8A]  }
0x39: {  	_ = 	snop;
	(pc) =	sbr.ind lr, $3  }
0x3a: {  	_ = 	snop  }
0x3b: {  	_ = 	snop  }
0x3c: {  	p2 =	seq.s32 s10, $0x1;
	s10 =	sld [smem:$0x3F89]  }
0x3d: {  	_ =	shalt  }
0x3e: {  	_ =	shalt  }
0x3f: {  	_ =	shalt  }
0x40: {  	_ =	shalt  }
0x41: {  	_ =	shalt  }
0x42: {  	_ =	shalt  }
0x43: {  	_ =	shalt  }
0x44: {  	_ =	shalt  }
0x45: {  	_ =	shalt  }
0x46: {  	_ =	shalt  }
0x47: {  	_ =	shalt  }
0x48: {  	_ =	shalt  }
0x49: {  	_ =	shalt  }
0x4a: {  	_ =	shalt  }
0x4b: {  	_ =	shalt  }
0x4c: {  	_ =	shalt  }
0x4d: {  	_ =	shalt  }
0x4e: {  	_ =	shalt  }
0x4f: {  	_ =	shalt  }
0x50: {  	_ =	shalt  }
0x51: {  	_ =	shalt  }
0x52: {  	_ =	shalt  }
0x53: {  	_ =	shalt  }
0x54: {  	_ =	shalt  }
0x55: {  	_ =	shalt  }
0x56: {  	_ =	shalt  }
0x57: {  	_ =	shalt  }
0x58: {  	_ =	shalt  }
0x59: {  	_ =	shalt  }
0x5a: {  	_ =	shalt  }
0x5b: {  	_ =	shalt  }
0x5c: {  	_ =	shalt  }
0x5d: {  	_ =	shalt  }
0x5e: {  	_ =	shalt  }
0x5f: {  	_ =	shalt  }
0x60: {  	_ =	shalt  }
0x61: {  	_ =	shalt  }
0x62: {  	_ =	shalt  }
0x63: {  	_ =	shalt  }
0x64: {  	_ =	shalt  }
0x65: {  	_ =	shalt  }
0x66: {  	_ =	shalt  }
0x67: {  	_ =	shalt  }
0x68: {  	_ =	shalt  }
0x69: {  	_ =	shalt  }
0x6a: {  	_ =	shalt  }
0x6b: {  	_ =	shalt  }
0x6c: {  	_ =	shalt  }
0x6d: {  	_ =	shalt  }
0x6e: {  	_ =	shalt  }
0x6f: {  	_ =	shalt  }
0x70: {  	_ =	shalt  }
0x71: {  	_ =	shalt  }
0x72: {  	_ =	shalt  }
0x73: {  	_ =	shalt  }
0x74: {  	_ =	shalt  }
0x75: {  	_ =	shalt  }
0x76: {  	_ =	shalt  }
0x77: {  	_ =	shalt  }
0x78: {  	_ =	shalt  }
0x79: {  	_ =	shalt  }
0x7a: {  	_ =	shalt  }
0x7b: {  	_ =	shalt  }
0x7c: {  	_ =	shalt  }
0x7d: {  	_ =	shalt  }
0x7e: {  	_ =	shalt  }
0x7f: {  	_ =	shalt  }
0x80: {  	_ =	shalt  }
0x81: {  	_ =	shalt  }
0x82: {  	_ =	shalt  }
0x83: {  	_ =	shalt  }
0x84: {  	_ =	shalt  }
0x85: {  	_ =	shalt  }
0x86: {  	_ =	shalt  }
0x87: {  	_ =	shalt  }
.Lfunc_end0:
.L_simem_size_0:
called_computation_lowered:
.L_overlay_start_0:
0x88: {  	s2 =	sld [smem:$0x3FD9]  }
0x89: {  	s3 =	sld [smem:$0x3FFE];
	_ =	sdelay $0x1  }
0x8a: {  	s1 =	srdreg.scid  }
0x8b: {  	s0 =	sand.u32 $0x1, s1  }
0x8c: {  	s16 =	sshll.u32 s0, $0xA;
	s2 =	sadd.s32 s3, s2  }
0x8d: {  	s2 =	sadd.s32 s2, s16  }
0x8e: {  	[smem:$0x3F95] =	sst s2  }
0x8f: {  	_ = 	snop  }
0x90: {  	(tm) =	ssettm $0x1  }
0x91: {  	s17 =	sld [smem:$0x3FFB];
	_ =	sdelay $0x3  }
0x92: {  	_ =	strace s17  }
0x93: {  	s2 =	sld [smem:$0x3FFC];
	_ =	sdelay $0x3  }
0x94: {  	_ =	strace s2  }
0x95: {  	s2 =	sld [smem:$0x3FFD];
	_ =	sdelay $0x3  }
0x96: {  	_ =	strace s2  }
0x97: {  	_ =	strace $0x8FFFFFFF  }
0x98: {  	s18 =	sld [smem:$0x3FDB];
	_ =	sdelay $0x1  }
0x99: {  	s19 =	simm.s32 $_scs_section_size  }
0x9a: {  	s4 =	simm.s32 $_size__tile_overlayer_lowered;
	s5 =	simm.s32 $_tile_overlayer_lowered  }
0x9b: {  	s22 =	simm.s32 $0x1BFF;
	s21 =	sshll.u32 s5, $0x1;
	s2 =	sadd.s32 s19, s18  }
0x9c: {  	s6 =	simm.s32 $0x0;
	s20 =	sshll.u32 s4, $0x1;
	s4 =	sadd.s32 s21, s2  }
0x9d: {  	[timem:s6], [sflag:s22] =	dma.local [hbm:s4], s20  }
0x9e: {  	_ =	swait.ge [sflag:s22], s20  }
0x9f: {  	s3 =	ssub.s32 $0x0, s20;
	[sflag:s22] =	ssyncset.done $0x0  }
0xa0: {  	[sflag:s22] =	ssyncadd.s32 s3;
	_ =	sdelay $0x1  }
0xa1: {  	s23 =	simm.s32 $0x1B8B  }
0xa2: {  	_ =	swait.ge [sflag:s23], $0x1  }
0xa3: {  	[sflag:s23] =	ssyncset.done $0x0  }
0xa4: {  	s25 =	simm.s32 $0x1B8E;
	s24 =	sld [smem:$0x3FFE];
	[sflag:s23] =	ssyncadd.s32 $0xFFFFFFFF  }
0xa5: {  	s26 =	simm.s32 $execute0_lowered;
	[smem:$0x3FD2] =	sst s25  }
0xa6: {  	s4 =	sshll.u32 s26, $0x1;
	_ =	strace $0x80000046;
	[dreg:$0x1] =	wrdreg $0xFFFFFFFF  }
0xa7: {  	s28 =	simm.s32 $_size_execute0_lowered;
	s2 =	sadd.s32 s2, s4;
	[dreg:$0x0] =	wrdreg $0x0  }
0xa8: {  	s4 =	sshll.u32 s28, $0x1;
	[dreg:$0x2] =	wrdreg s2  }
0xa9: {  	[dreg:$0x3] =	wrdreg s4  }
0xaa: {  	[dreg:$0x4] =	wrdreg $0xC0  }
0xab: {  	_ =	task [dreg:s6], $0x5FFFF  }
0xac: {  	[dreg:$0x1] =	wrdreg $0xFFFFFFFF  }
0xad: {  	[dreg:$0x0] =	wrdreg $0x60  }
0xae: {  	[dreg:$0x2] =	wrdreg s24  }
0xaf: {  	[dreg:$0x3] =	wrdreg $0x9  }
0xb0: {  	_ =	task.clear_ibuf [dreg:s6], $0x4FFFF;
	_ =	strace $0x90000046  }
0xb1: {  	s29 =	simm.s32 $0x9;
	_ =	strace $0x80000048  }
0xb2: {  	_ =	swait.ge [sflag:s29], $0x1  }
0xb3: {  	[sflag:s29] =	ssyncadd.s32 $0xFFFFFFFF  }
0xb4: {  	_ =	strace $0x90000048  }
0xb5: {  	_ =	sfence  }
0xb6: {  	s30 =	sld [smem:$0x0];
	_ =	sdelay $0x2  }
0xb7: {  	s31 =	sshll.u32 s1, $0xD;
	s1 =	sshrl.u32 s1, $0x2  }
0xb8: {  	s3 =	sand.u32 $0x4000, s31;
	s1 =	sadd.s32 s1, s30  }
0xb9: {  	s0 =	sor.u32 s3, s0;
	s1 =	sshll.u32 s1, $0x11  }
0xba: {  	s0 =	sor.u32 s1, s0  }
0xbb: {  	s0 =	sadd.s32 $0x8F2B, s0  }
0xbc: {  	[sflag:s0] =	ssyncadd.remote.s32 $0x1  }
0xbd: {  	_ =	sfence.sel $0xFFFF  }
0xbe: {  	[dreg:$0x0] =	wrdreg $0xFFFFFFFF;
	(pc) =	sbr.abs _section_cstart, $3  }
0xbf: {  	[dreg:$0x1] =	wrdreg $0xFFFFFFFF  }
0xc0: {  	_ =	task.clear_ibuf [dreg:s6], $0x2FFFF;
	_ =	strace $0x9FFFFFFF  }
0xc1: {  	(tm) =	ssettm $0x7FFFFFFF  }
tec
execute0_lowered:
.L_overlay_start_1:
0x0: {  	(tag) =	ssettag $0x1  }
0x1: {  	s1 =	srdreg.scid  }
0x2: {  	s0 =	stileid.u32;
	s3 =	rddreg [dreg:$0x0]  }
0x3: {  	s23 =	simm.s32 $0x3;
	s22 =	simm.s32 $0x78;
	s21 =	simm.s32 $0x400  }
0x4: {  	s20 =	simm.s32 $0x4000;
	s24 =	simm.s32 $0xF0;
	s19 =	simm.s32 $0x7C00  }
0x5: {  	s25 =	simm.s32 $0x168;
	s18 =	simm.s32 $0xB800;
	s26 =	simm.s32 $0x1E0  }
0x6: {  	s17 =	simm.s32 $0xF400;
	s28 =	simm.s32 $0x258;
	s14 =	simm.s32 $0x13000  }
0x7: {  	s29 =	simm.s32 $0x2D0;
	p0 =	por $0x0, $0x0;
	s15 =	simm.s32 $0x16C00  }
0x8: {  	s30 =	simm.s32 $0x348;
	s1 =	sand.u32 $0x1, s1;
	s2 =	sshll.u32 s0, $0x1  }
0x9: {  	s13 =	simm.s32 $0x1A800;
	s16 =	simm.s32 $0x1;
	s4 =	sor.u32 s1, s2  }
0xa: {  	s9 =	sadd.s32 $0x7200, s3;
	s1 =	ssub.s32 $0x2, s1;
	s5 =	smul.u32 $0x78, s4  }
0xb: {  	s2 =	simm.s32 $0x0;
	s6 =	smul.u32 $0x1E000, s4;
	s7 =	sshrl.u32 s1, $0x1  }
0xc: {  	[smem:$0x7FF] =	sst s2;
	s4 =	smul.u32 $0x3C00, s4;
	s1 =	ssub.s32 s1, s7  }
0xd: {  	_ =	strace $0x80000047;
	s5 =	sadd.s32 s5, s3;
	s1 =	smax.u32 s1, $0x1  }
0xe: {  	s3 =	sadd.s32 $0x11000, s3;
	s6 =	sshrl.u32 s6, $0x3;
	p1 =	sne.s32 s1, $0x1  }
.Ltmp0:
0xf: {  	s5 =	sadd.s32 $0x6200, s5;
	s12 =	sadd.s32 s3, s4;
	(pc) =	sbr.rel @!p1 .LBB2_3-.Ltmp0, $4  }
0x10: {  	s3 =	sadd.s32 s3, s6;
	s31 =	sadd.s32 $0xFFFFFFFF, s1;
	[dreg:$0x2] =	wrdreg s5  }
0x11: {  	s11 =	sadd.s32 $0x780, s3;
	s10 =	sadd.s32 $0xF00, s3;
	s8 =	sadd.s32 $0x1680, s3  }
0x12: {  	s7 =	sadd.s32 $0x1E00, s3;
	s6 =	sadd.s32 $0x2580, s3;
	s5 =	sadd.s32 $0x2D00, s3  }
0x13: {  	s4 =	sadd.s32 $0x3480, s3;
	s3 =	simm.s32 $0x2;
	s1 =	rddreg [dreg:$0x2]  }
0x14: {  	[tilespmem:s2], [sflag:$0x3] =	stream.linear.gather [hbm4b:s1+s2], $0x3C0, $0x38;
	[tilespmem:$0x1E400] =	vst v63  }
0x15: {  	_ =	swait.ge [sflag:s23], $0x3C0  }
0x16: {  	[sflag:s23] =	ssyncset.done $0x0  }
0x17: {  	[sflag:s23] =	ssyncadd.s32 $0xFFFFFC40  }
0x18: {  	[tilespmem:s21], [sflag:$0x1] =	stream.indirect.gather [hbm4b:s9+s22], $0x80, s2, s22, $0xb8;
	[tilespmem:$0x1E400] =	vst v63  }
0x19: {  	_ = 	snop  }
0x1a: {  	[tilespmem:s20], [sflag:$0x1] =	stream.indirect.gather [hbm4b:s9+s22], $0x80, s22, s22, $0xb8;
	[tilespmem:$0x1E400] =	vst v63  }
0x1b: {  	_ = 	snop  }
0x1c: {  	[tilespmem:s19], [sflag:$0x1] =	stream.indirect.gather [hbm4b:s9+s22], $0x80, s24, s22, $0xb8;
	[tilespmem:$0x1E400] =	vst v63  }
0x1d: {  	_ = 	snop  }
0x1e: {  	[tilespmem:s18], [sflag:$0x1] =	stream.indirect.gather [hbm4b:s9+s22], $0x80, s25, s22, $0xb8;
	[tilespmem:$0x1E400] =	vst v63  }
0x1f: {  	_ = 	snop  }
0x20: {  	[tilespmem:s17], [sflag:$0x1] =	stream.indirect.gather [hbm4b:s9+s22], $0x80, s26, s22, $0xb8;
	[tilespmem:$0x1E400] =	vst v63  }
0x21: {  	_ = 	snop  }
0x22: {  	[tilespmem:s14], [sflag:$0x1] =	stream.indirect.gather [hbm4b:s9+s22], $0x80, s28, s22, $0xb8;
	[tilespmem:$0x1E400] =	vst v63  }
0x23: {  	_ = 	snop  }
0x24: {  	[tilespmem:s15], [sflag:$0x1] =	stream.indirect.gather [hbm4b:s9+s22], $0x80, s29, s22, $0xb8;
	[tilespmem:$0x1E400] =	vst v63  }
0x25: {  	_ = 	snop  }
0x26: {  	[tilespmem:s13], [sflag:$0x1] =	stream.indirect.gather [hbm4b:s9+s22], $0x80, s30, s22, $0xb8;
	[tilespmem:$0x1E400] =	vst v63  }
0x27: {  	_ =	swait.ge [sflag:s16], $0x3C00  }
0x28: {  	[sflag:s16] =	ssyncset.done $0x0  }
0x29: {  	[sflag:s16] =	ssyncadd.s32 $0xFFFFC400  }
0x2a: {  	[hbm4b:s12+s2] =	stream.linear.scatter [tilespmem:s21], [sflag:$0x2], $0x3C00, $0x38;
	[tilespmem:$0x1E400] =	vst v63  }
0x2b: {  	_ =	swait.ge [sflag:s16], $0x3C00  }
0x2c: {  	[sflag:s16] =	ssyncset.done $0x0  }
0x2d: {  	[sflag:s16] =	ssyncadd.s32 $0xFFFFC400  }
0x2e: {  	[hbm4b:s11+s2] =	stream.linear.scatter [tilespmem:s20], [sflag:$0x2], $0x3C00, $0x38;
	[tilespmem:$0x1E400] =	vst v63  }
0x2f: {  	_ =	swait.ge [sflag:s16], $0x3C00  }
0x30: {  	[sflag:s16] =	ssyncset.done $0x0  }
0x31: {  	[sflag:s16] =	ssyncadd.s32 $0xFFFFC400  }
0x32: {  	[hbm4b:s10+s2] =	stream.linear.scatter [tilespmem:s19], [sflag:$0x2], $0x3C00, $0x38;
	[tilespmem:$0x1E400] =	vst v63  }
0x33: {  	_ =	swait.ge [sflag:s16], $0x3C00  }
0x34: {  	[sflag:s16] =	ssyncset.done $0x0  }
0x35: {  	[sflag:s16] =	ssyncadd.s32 $0xFFFFC400  }
0x36: {  	[hbm4b:s8+s2] =	stream.linear.scatter [tilespmem:s18], [sflag:$0x2], $0x3C00, $0x38;
	[tilespmem:$0x1E400] =	vst v63  }
0x37: {  	_ =	swait.ge [sflag:s16], $0x3C00  }
0x38: {  	[sflag:s16] =	ssyncset.done $0x0  }
0x39: {  	[sflag:s16] =	ssyncadd.s32 $0xFFFFC400  }
0x3a: {  	[hbm4b:s7+s2] =	stream.linear.scatter [tilespmem:s17], [sflag:$0x2], $0x3C00, $0x38;
	[tilespmem:$0x1E400] =	vst v63  }
0x3b: {  	_ =	swait.ge [sflag:s16], $0x3C00  }
0x3c: {  	[sflag:s16] =	ssyncset.done $0x0  }
0x3d: {  	[sflag:s16] =	ssyncadd.s32 $0xFFFFC400  }
0x3e: {  	[hbm4b:s6+s2] =	stream.linear.scatter [tilespmem:s14], [sflag:$0x2], $0x3C00, $0x38;
	[tilespmem:$0x1E400] =	vst v63  }
0x3f: {  	_ =	swait.ge [sflag:s16], $0x3C00  }
0x40: {  	[sflag:s16] =	ssyncset.done $0x0  }
0x41: {  	[sflag:s16] =	ssyncadd.s32 $0xFFFFC400  }
0x42: {  	[hbm4b:s5+s2] =	stream.linear.scatter [tilespmem:s15], [sflag:$0x2], $0x3C00, $0x38;
	[tilespmem:$0x1E400] =	vst v63  }
0x43: {  	_ =	swait.ge [sflag:s16], $0x3C00  }
0x44: {  	[sflag:s16] =	ssyncset.done $0x0  }
0x45: {  	[sflag:s16] =	ssyncadd.s32 $0xFFFFC400  }
0x46: {  	[hbm4b:s4+s2] =	stream.linear.scatter [tilespmem:s13], [sflag:$0x2], $0x3C00, $0x38;
	[tilespmem:$0x1E400] =	vst v63  }
0x47: {  	_ =	swait.ge [sflag:s3], $0x3C00  }
0x48: {  	[sflag:s3] =	ssyncset.done $0x0  }
0x49: {  	[sflag:s3] =	ssyncadd.s32 $0xFFFFC400  }
0x4a: {  	_ =	swait.ge [sflag:s3], $0x3C00  }
0x4b: {  	[sflag:s3] =	ssyncset.done $0x0  }
0x4c: {  	[sflag:s3] =	ssyncadd.s32 $0xFFFFC400  }
0x4d: {  	_ =	swait.ge [sflag:s3], $0x3C00  }
0x4e: {  	[sflag:s3] =	ssyncset.done $0x0  }
0x4f: {  	[sflag:s3] =	ssyncadd.s32 $0xFFFFC400  }
0x50: {  	_ =	swait.ge [sflag:s3], $0x3C00  }
0x51: {  	[sflag:s3] =	ssyncset.done $0x0  }
0x52: {  	[sflag:s3] =	ssyncadd.s32 $0xFFFFC400  }
0x53: {  	_ =	swait.ge [sflag:s3], $0x3C00  }
0x54: {  	[sflag:s3] =	ssyncset.done $0x0  }
0x55: {  	[sflag:s3] =	ssyncadd.s32 $0xFFFFC400  }
0x56: {  	_ =	swait.ge [sflag:s3], $0x3C00  }
0x57: {  	[sflag:s3] =	ssyncset.done $0x0  }
0x58: {  	p1 =	sne.s32 s31, $0x1;
	[sflag:s3] =	ssyncadd.s32 $0xFFFFC400  }
.Ltmp1:
0x59: {  	_ =	swait.ge [sflag:s3], $0x3C00;
	(pc) =	sbr.rel @!p1 .LBB2_3-.Ltmp1, $4  }
0x5a: {  	[sflag:s3] =	ssyncset.done $0x0  }
0x5b: {  	[sflag:s3] =	ssyncadd.s32 $0xFFFFC400  }
0x5c: {  	s31 =	sadd.s32 $0xFFFFFFFF, s31;
	_ =	swait.ge [sflag:s3], $0x3C00  }
0x5d: {  	p0 =	por $0x1, $0x1;
	s1 =	rddreg [dreg:$0x2];
	[sflag:s3] =	ssyncset.done $0x0  }
.LBB2_2:
0x5e: {  	[sflag:s3] =	ssyncadd.s32 $0xFFFFC400  }
0x5f: {  	[tilespmem:s2], [sflag:$0x3] =	stream.linear.gather [hbm4b:s1+s2], $0x3C0, $0x38;
	[tilespmem:$0x1E400] =	vst v63  }
0x60: {  	_ =	swait.ge [sflag:s23], $0x3C0  }
0x61: {  	[sflag:s23] =	ssyncset.done $0x0  }
0x62: {  	[sflag:s23] =	ssyncadd.s32 $0xFFFFFC40  }
0x63: {  	[tilespmem:s21], [sflag:$0x1] =	stream.indirect.gather [hbm4b:s9+s22], $0x80, s2, s22, $0xb8;
	[tilespmem:$0x1E400] =	vst v63  }
0x64: {  	_ = 	snop  }
0x65: {  	[tilespmem:s20], [sflag:$0x1] =	stream.indirect.gather [hbm4b:s9+s22], $0x80, s22, s22, $0xb8;
	[tilespmem:$0x1E400] =	vst v63  }
0x66: {  	_ = 	snop  }
0x67: {  	[tilespmem:s19], [sflag:$0x1] =	stream.indirect.gather [hbm4b:s9+s22], $0x80, s24, s22, $0xb8;
	[tilespmem:$0x1E400] =	vst v63  }
0x68: {  	_ = 	snop  }
0x69: {  	[tilespmem:s18], [sflag:$0x1] =	stream.indirect.gather [hbm4b:s9+s22], $0x80, s25, s22, $0xb8;
	[tilespmem:$0x1E400] =	vst v63  }
0x6a: {  	_ = 	snop  }
0x6b: {  	[tilespmem:s17], [sflag:$0x1] =	stream.indirect.gather [hbm4b:s9+s22], $0x80, s26, s22, $0xb8;
	[tilespmem:$0x1E400] =	vst v63  }
0x6c: {  	_ = 	snop  }
0x6d: {  	[tilespmem:s14], [sflag:$0x1] =	stream.indirect.gather [hbm4b:s9+s22], $0x80, s28, s22, $0xb8;
	[tilespmem:$0x1E400] =	vst v63  }
0x6e: {  	_ = 	snop  }
0x6f: {  	[tilespmem:s15], [sflag:$0x1] =	stream.indirect.gather [hbm4b:s9+s22], $0x80, s29, s22, $0xb8;
	[tilespmem:$0x1E400] =	vst v63  }
0x70: {  	_ = 	snop  }
0x71: {  	[tilespmem:s13], [sflag:$0x1] =	stream.indirect.gather [hbm4b:s9+s22], $0x80, s30, s22, $0xb8;
	[tilespmem:$0x1E400] =	vst v63  }
0x72: {  	_ =	swait.ge [sflag:s16], $0x3C00  }
0x73: {  	[sflag:s16] =	ssyncset.done $0x0  }
0x74: {  	[sflag:s16] =	ssyncadd.s32 $0xFFFFC400  }
0x75: {  	[hbm4b:s12+s2] =	stream.linear.scatter [tilespmem:s21], [sflag:$0x2], $0x3C00, $0x38;
	[tilespmem:$0x1E400] =	vst v63  }
0x76: {  	_ =	swait.ge [sflag:s16], $0x3C00  }
0x77: {  	[sflag:s16] =	ssyncset.done $0x0  }
0x78: {  	[sflag:s16] =	ssyncadd.s32 $0xFFFFC400  }
0x79: {  	[hbm4b:s11+s2] =	stream.linear.scatter [tilespmem:s20], [sflag:$0x2], $0x3C00, $0x38;
	[tilespmem:$0x1E400] =	vst v63  }
0x7a: {  	_ =	swait.ge [sflag:s16], $0x3C00  }
0x7b: {  	[sflag:s16] =	ssyncset.done $0x0  }
0x7c: {  	[sflag:s16] =	ssyncadd.s32 $0xFFFFC400  }
0x7d: {  	[hbm4b:s10+s2] =	stream.linear.scatter [tilespmem:s19], [sflag:$0x2], $0x3C00, $0x38;
	[tilespmem:$0x1E400] =	vst v63  }
0x7e: {  	_ =	swait.ge [sflag:s16], $0x3C00  }
0x7f: {  	[sflag:s16] =	ssyncset.done $0x0  }
0x80: {  	[sflag:s16] =	ssyncadd.s32 $0xFFFFC400  }
0x81: {  	[hbm4b:s8+s2] =	stream.linear.scatter [tilespmem:s18], [sflag:$0x2], $0x3C00, $0x38;
	[tilespmem:$0x1E400] =	vst v63  }
0x82: {  	_ =	swait.ge [sflag:s16], $0x3C00  }
0x83: {  	[sflag:s16] =	ssyncset.done $0x0  }
0x84: {  	[sflag:s16] =	ssyncadd.s32 $0xFFFFC400  }
0x85: {  	[hbm4b:s7+s2] =	stream.linear.scatter [tilespmem:s17], [sflag:$0x2], $0x3C00, $0x38;
	[tilespmem:$0x1E400] =	vst v63  }
0x86: {  	_ =	swait.ge [sflag:s16], $0x3C00  }
0x87: {  	[sflag:s16] =	ssyncset.done $0x0  }
0x88: {  	[sflag:s16] =	ssyncadd.s32 $0xFFFFC400  }
0x89: {  	[hbm4b:s6+s2] =	stream.linear.scatter [tilespmem:s14], [sflag:$0x2], $0x3C00, $0x38;
	[tilespmem:$0x1E400] =	vst v63  }
0x8a: {  	_ =	swait.ge [sflag:s16], $0x3C00  }
0x8b: {  	[sflag:s16] =	ssyncset.done $0x0  }
0x8c: {  	[sflag:s16] =	ssyncadd.s32 $0xFFFFC400  }
0x8d: {  	[hbm4b:s5+s2] =	stream.linear.scatter [tilespmem:s15], [sflag:$0x2], $0x3C00, $0x38;
	[tilespmem:$0x1E400] =	vst v63  }
0x8e: {  	_ =	swait.ge [sflag:s16], $0x3C00  }
0x8f: {  	[sflag:s16] =	ssyncset.done $0x0  }
0x90: {  	[sflag:s16] =	ssyncadd.s32 $0xFFFFC400  }
0x91: {  	[hbm4b:s4+s2] =	stream.linear.scatter [tilespmem:s13], [sflag:$0x2], $0x3C00, $0x38;
	[tilespmem:$0x1E400] =	vst v63  }
0x92: {  	_ =	swait.ge [sflag:s3], $0x3C00  }
0x93: {  	[sflag:s3] =	ssyncset.done $0x0  }
0x94: {  	[sflag:s3] =	ssyncadd.s32 $0xFFFFC400  }
0x95: {  	_ =	swait.ge [sflag:s3], $0x3C00  }
0x96: {  	[sflag:s3] =	ssyncset.done $0x0  }
0x97: {  	[sflag:s3] =	ssyncadd.s32 $0xFFFFC400  }
0x98: {  	_ =	swait.ge [sflag:s3], $0x3C00  }
0x99: {  	[sflag:s3] =	ssyncset.done $0x0  }
0x9a: {  	[sflag:s3] =	ssyncadd.s32 $0xFFFFC400  }
0x9b: {  	_ =	swait.ge [sflag:s3], $0x3C00  }
0x9c: {  	[sflag:s3] =	ssyncset.done $0x0  }
0x9d: {  	[sflag:s3] =	ssyncadd.s32 $0xFFFFC400  }
0x9e: {  	_ =	swait.ge [sflag:s3], $0x3C00  }
0x9f: {  	[sflag:s3] =	ssyncset.done $0x0  }
0xa0: {  	[sflag:s3] =	ssyncadd.s32 $0xFFFFC400  }
0xa1: {  	_ =	swait.ge [sflag:s3], $0x3C00  }
0xa2: {  	[sflag:s3] =	ssyncset.done $0x0  }
0xa3: {  	p1 =	sne.s32 s31, $0x1;
	[sflag:s3] =	ssyncadd.s32 $0xFFFFC400  }
.Ltmp2:
0xa4: {  	_ =	swait.ge [sflag:s3], $0x3C00;
	(pc) =	sbr.rel @p1 .LBB2_2-.Ltmp2, $4  }
0xa5: {  	[sflag:s3] =	ssyncset.done $0x0  }
0xa6: {  	[sflag:s3] =	ssyncadd.s32 $0xFFFFC400  }
0xa7: {  	_ =	swait.ge [sflag:s3], $0x3C00  }
0xa8: {  	s31 =	sadd.s32 $0xFFFFFFFF, s31;
	s1 =	rddreg [dreg:$0x2];
	[sflag:s3] =	ssyncset.done $0x0  }
.LBB2_3:
0xa9: {  	[sflag:s3] =	ssyncadd.s32 @p0 $0xFFFFC400  }
0xaa: {  	[tilespmem:s2], [sflag:$0x3] =	stream.linear.gather [hbm4b:s1+s2], $0x3C0, $0x38;
	[tilespmem:$0x1E400] =	vst v63  }
0xab: {  	_ =	swait.ge [sflag:s23], $0x3C0  }
0xac: {  	[sflag:s23] =	ssyncset.done $0x0  }
0xad: {  	[sflag:s23] =	ssyncadd.s32 $0xFFFFFC40  }
0xae: {  	[tilespmem:s21], [sflag:$0x1] =	stream.indirect.gather [hbm4b:s9+s22], $0x80, s2, s22, $0xb8;
	[tilespmem:$0x1E400] =	vst v63  }
0xaf: {  	_ = 	snop  }
0xb0: {  	[tilespmem:s20], [sflag:$0x1] =	stream.indirect.gather [hbm4b:s9+s22], $0x80, s22, s22, $0xb8;
	[tilespmem:$0x1E400] =	vst v63  }
0xb1: {  	_ = 	snop  }
0xb2: {  	[tilespmem:s19], [sflag:$0x1] =	stream.indirect.gather [hbm4b:s9+s22], $0x80, s24, s22, $0xb8;
	[tilespmem:$0x1E400] =	vst v63  }
0xb3: {  	_ = 	snop  }
0xb4: {  	[tilespmem:s18], [sflag:$0x1] =	stream.indirect.gather [hbm4b:s9+s22], $0x80, s25, s22, $0xb8;
	[tilespmem:$0x1E400] =	vst v63  }
0xb5: {  	_ = 	snop  }
0xb6: {  	[tilespmem:s17], [sflag:$0x1] =	stream.indirect.gather [hbm4b:s9+s22], $0x80, s26, s22, $0xb8;
	[tilespmem:$0x1E400] =	vst v63  }
0xb7: {  	_ = 	snop  }
0xb8: {  	[tilespmem:s14], [sflag:$0x1] =	stream.indirect.gather [hbm4b:s9+s22], $0x80, s28, s22, $0xb8;
	[tilespmem:$0x1E400] =	vst v63  }
0xb9: {  	_ = 	snop  }
0xba: {  	[tilespmem:s15], [sflag:$0x1] =	stream.indirect.gather [hbm4b:s9+s22], $0x80, s29, s22, $0xb8;
	[tilespmem:$0x1E400] =	vst v63  }
0xbb: {  	_ = 	snop  }
0xbc: {  	[tilespmem:s13], [sflag:$0x1] =	stream.indirect.gather [hbm4b:s9+s22], $0x80, s30, s22, $0xb8;
	[tilespmem:$0x1E400] =	vst v63  }
0xbd: {  	_ =	swait.ge [sflag:s16], $0x3C00  }
0xbe: {  	[sflag:s16] =	ssyncset.done $0x0  }
0xbf: {  	[sflag:s16] =	ssyncadd.s32 $0xFFFFC400  }
0xc0: {  	[hbm4b:s12+s2] =	stream.linear.scatter [tilespmem:s21], [sflag:$0x2], $0x3C00, $0x38;
	[tilespmem:$0x1E400] =	vst v63  }
0xc1: {  	_ =	swait.ge [sflag:s16], $0x3C00  }
0xc2: {  	[sflag:s16] =	ssyncset.done $0x0  }
0xc3: {  	[sflag:s16] =	ssyncadd.s32 $0xFFFFC400  }
0xc4: {  	[hbm4b:s11+s2] =	stream.linear.scatter [tilespmem:s20], [sflag:$0x2], $0x3C00, $0x38;
	[tilespmem:$0x1E400] =	vst v63  }
0xc5: {  	_ =	swait.ge [sflag:s16], $0x3C00  }
0xc6: {  	[sflag:s16] =	ssyncset.done $0x0  }
0xc7: {  	[sflag:s16] =	ssyncadd.s32 $0xFFFFC400  }
0xc8: {  	[hbm4b:s10+s2] =	stream.linear.scatter [tilespmem:s19], [sflag:$0x2], $0x3C00, $0x38;
	[tilespmem:$0x1E400] =	vst v63  }
0xc9: {  	_ =	swait.ge [sflag:s16], $0x3C00  }
0xca: {  	[sflag:s16] =	ssyncset.done $0x0  }
0xcb: {  	[sflag:s16] =	ssyncadd.s32 $0xFFFFC400  }
0xcc: {  	[hbm4b:s8+s2] =	stream.linear.scatter [tilespmem:s18], [sflag:$0x2], $0x3C00, $0x38;
	[tilespmem:$0x1E400] =	vst v63  }
0xcd: {  	_ =	swait.ge [sflag:s16], $0x3C00  }
0xce: {  	[sflag:s16] =	ssyncset.done $0x0  }
0xcf: {  	[sflag:s16] =	ssyncadd.s32 $0xFFFFC400  }
0xd0: {  	[hbm4b:s7+s2] =	stream.linear.scatter [tilespmem:s17], [sflag:$0x2], $0x3C00, $0x38;
	[tilespmem:$0x1E400] =	vst v63  }
0xd1: {  	_ =	swait.ge [sflag:s16], $0x3C00  }
0xd2: {  	[sflag:s16] =	ssyncset.done $0x0  }
0xd3: {  	[sflag:s16] =	ssyncadd.s32 $0xFFFFC400  }
0xd4: {  	[hbm4b:s6+s2] =	stream.linear.scatter [tilespmem:s14], [sflag:$0x2], $0x3C00, $0x38;
	[tilespmem:$0x1E400] =	vst v63  }
0xd5: {  	_ =	swait.ge [sflag:s16], $0x3C00  }
0xd6: {  	[sflag:s16] =	ssyncset.done $0x0  }
0xd7: {  	[sflag:s16] =	ssyncadd.s32 $0xFFFFC400  }
0xd8: {  	[hbm4b:s5+s2] =	stream.linear.scatter [tilespmem:s15], [sflag:$0x2], $0x3C00, $0x38;
	[tilespmem:$0x1E400] =	vst v63  }
0xd9: {  	_ =	swait.ge [sflag:s16], $0x3C00  }
0xda: {  	[sflag:s16] =	ssyncset.done $0x0  }
0xdb: {  	[sflag:s16] =	ssyncadd.s32 $0xFFFFC400  }
0xdc: {  	[hbm4b:s4+s2] =	stream.linear.scatter [tilespmem:s13], [sflag:$0x2], $0x3C00, $0x38;
	[tilespmem:$0x1E400] =	vst v63  }
0xdd: {  	_ =	swait.ge [sflag:s3], $0x3C00  }
0xde: {  	[sflag:s3] =	ssyncset.done $0x0  }
0xdf: {  	[sflag:s3] =	ssyncadd.s32 $0xFFFFC400  }
0xe0: {  	_ =	swait.ge [sflag:s3], $0x3C00  }
0xe1: {  	[sflag:s3] =	ssyncset.done $0x0  }
0xe2: {  	[sflag:s3] =	ssyncadd.s32 $0xFFFFC400  }
0xe3: {  	_ =	swait.ge [sflag:s3], $0x3C00  }
0xe4: {  	[sflag:s3] =	ssyncset.done $0x0  }
0xe5: {  	[sflag:s3] =	ssyncadd.s32 $0xFFFFC400  }
0xe6: {  	_ =	swait.ge [sflag:s3], $0x3C00  }
0xe7: {  	[sflag:s3] =	ssyncset.done $0x0  }
0xe8: {  	[sflag:s3] =	ssyncadd.s32 $0xFFFFC400  }
0xe9: {  	_ =	swait.ge [sflag:s3], $0x3C00  }
0xea: {  	[sflag:s3] =	ssyncset.done $0x0  }
0xeb: {  	[sflag:s3] =	ssyncadd.s32 $0xFFFFC400  }
0xec: {  	_ =	swait.ge [sflag:s3], $0x3C00  }
0xed: {  	[sflag:s3] =	ssyncset.done $0x0  }
0xee: {  	[sflag:s3] =	ssyncadd.s32 $0xFFFFC400  }
0xef: {  	_ =	swait.ge [sflag:s3], $0x3C00  }
0xf0: {  	[sflag:s3] =	ssyncset.done $0x0  }
0xf1: {  	[sflag:s3] =	ssyncadd.s32 $0xFFFFC400  }
0xf2: {  	_ =	swait.ge [sflag:s3], $0x3C00  }
0xf3: {  	[sflag:s3] =	ssyncset.done $0x0  }
0xf4: {  	[sflag:s3] =	ssyncadd.s32 $0xFFFFC400  }
0xf5: {  	_ =	sfence.sel $0x180000  }
0xf6: {  	[bflag:$0x0] =	sbarrier.arrive $0xFFFF  }
0xf7: {  	_ =	strace $0x90000047  }
0xf8: {  	[bflag:$0x2] =	sbarrier.arrive $0xFFFF  }
0xf9: {  	p0 =	sne.s32 s0, $0x0;
	s0 =	rddreg [dreg:$0x1]  }
0xfa: {  	s0 =	sadd.s32 @!p0 $0x100000, s0  }
0xfb: {  	[sflag:s0] =	ssyncadd.tile.s32 @!p0 $0x1;
	_ =	shalt  }
.Lfunc_end2:
_tile_overlayer_lowered:
.L_overlay_start_2:
0xfc: {  	(tag) =	ssettag $0x2  }
0xfd: {  	s0 =	rddreg [dreg:$0x0];
	s2 =	stileid.u32  }
0xfe: {  	s1 =	rddreg [dreg:$0x1];
	p0 =	sne.s32 s2, $0x0  }
0xff: {  	s3 =	rddreg [dreg:$0x2];
	[bflag:$0x3] =	sbarrier.arrive $0xFFFF;
	s2 =	simm.s32 @!p0 $0x1C03  }
0x100: {  	[timem:s3], [sflag:s2] =	dma.local @!p0 [hbm:s0], s1  }
0x101: {  	s0 =	simm.s32 @!p0 $0x3  }
0x102: {  	_ =	swait.ge @!p0 [sflag:s0], s1  }
0x103: {  	s1 =	ssub.s32 @!p0 $0x0, s1;
	[sflag:s0] =	ssyncset.done @!p0 $0x0  }
0x104: {  	[sflag:s0] =	ssyncadd.s32 @!p0 s1  }
0x105: {  	[bflag:$0x3] =	sbarrier.arrive $0xFFFF  }
0x106: {  	_ =	shalt  }

</sc_bundles>
